<compile_context>
chip_gen: v7x
topology: tpu7x:2x2x1
jax: 0.10.2.dev20260603
libtpu: 0.0.44.dev20260713+nightly
codegen_flags: <defaults>
</compile_context>

<pallas_src>
import functools

import jax
import jax.numpy as jnp
from jax import lax
from jax.experimental import pallas as pl
from jax.experimental.pallas import tpu as pltpu
from jax.experimental.pallas import tpu_sc as plsc

NC = 2
NS = 16
L = 16

VOCAB = 128
EMBED = 2048
BATCH = 16384
SL = EMBED // 128

REP = 4
NW = NC * NS
BPW = BATCH // NW
K = 8
NCHUNK = BPW // K
NPAIR = NCHUNK // 2


def _body(pos_hbm, rowt_hbm, colt_hbm, out_hbm,
          pos_v, ridx_v, cidx_v,
          gr0, gc0, gr1, gc1, ob0, ob1,
          sr0, sc0, sr1, sc1, so0, so1):
    c = lax.axis_index("c")
    s = lax.axis_index("s")
    wid = s * NC + c
    base = wid * BPW

    for p in range(4):
        pltpu.sync_copy(pos_hbm.at[pl.ds(p * BATCH + base, BPW)],
                        pos_v.at[pl.ds(p * BPW, BPW)])

    def _quant(x):
        t = (x * float(VOCAB)).astype(jnp.int32)
        return jnp.minimum(t, VOCAB - 1)

    roff = lax.rem(wid, REP) * VOCAB

    def _idx_body(i, carry):
        r_lo = pos_v[pl.ds(0 * BPW + i * L, L)]
        c_lo = pos_v[pl.ds(1 * BPW + i * L, L)]
        r_hi = pos_v[pl.ds(2 * BPW + i * L, L)]
        c_hi = pos_v[pl.ds(3 * BPW + i * L, L)]
        ridx = lax.shift_right_logical(_quant(r_lo) + _quant(r_hi), 1)
        cidx = lax.shift_right_logical(_quant(c_lo) + _quant(c_hi), 1)
        ridx_v[pl.ds(i * L, L)] = ridx + roff
        cidx_v[pl.ds(i * L, L)] = cidx + roff
        return carry

    lax.fori_loop(0, BPW // L, _idx_body, 0)

    def _start_gather(cb, gr, gc, semr, semc):
        pltpu.async_copy(rowt_hbm.at[ridx_v.at[pl.ds(cb * K, K)]], gr, semr)
        pltpu.async_copy(colt_hbm.at[cidx_v.at[pl.ds(cb * K, K)]], gc, semc)

    def _wait_gather(cb, gr, gc, semr, semc):
        pltpu.make_async_copy(
            rowt_hbm.at[ridx_v.at[pl.ds(cb * K, K)]], gr, semr).wait()
        pltpu.make_async_copy(
            colt_hbm.at[cidx_v.at[pl.ds(cb * K, K)]], gc, semc).wait()

    def _start_out(cb, ob, semo):
        pltpu.async_copy(ob, out_hbm.at[pl.ds(base + cb * K, K)], semo)

    def _wait_out(ob, semo):
        pltpu.make_async_copy(ob, out_hbm.at[pl.ds(base, K)], semo).wait()

    def _add(gr, gc, ob):
        def _add_body(j, carry):
            for i in range(K):
                sl = (i, pl.ds(j * L, L))
                ob[sl] = gr[sl] + gc[sl]
            return carry
        lax.fori_loop(0, EMBED // L, _add_body, 0)

    _start_gather(0, gr0, gc0, sr0, sc0)

    def _pair_body(t, carry):
        a = 2 * t
        b = a + 1
        _start_gather(b, gr1, gc1, sr1, sc1)
        _wait_gather(a, gr0, gc0, sr0, sc0)

        @pl.when(t > 0)
        def _():
            _wait_out(ob0, so0)

        _add(gr0, gc0, ob0)
        _start_out(a, ob0, so0)

        @pl.when(t < NPAIR - 1)
        def _():
            _start_gather(a + 2, gr0, gc0, sr0, sc0)

        _wait_gather(b, gr1, gc1, sr1, sc1)

        @pl.when(t > 0)
        def _():
            _wait_out(ob1, so1)

        _add(gr1, gc1, ob1)
        _start_out(b, ob1, so1)
        return carry

    lax.fori_loop(0, NPAIR, _pair_body, 0)
    _wait_out(ob0, so0)
    _wait_out(ob1, so1)


@jax.jit
def _launch(pos_flat, row_embedding, col_embedding):
    mesh = plsc.VectorSubcoreMesh(core_axis_name="c", subcore_axis_name="s",
                                  num_cores=NC, num_subcores=NS)
    run = pl.kernel(
        _body,
        out_type=jax.ShapeDtypeStruct((BATCH, EMBED), jnp.float32),
        mesh=mesh,
        compiler_params=pltpu.CompilerParams(needs_layout_passes=False),
        scratch_types=[
            pltpu.VMEM((BPW * 4,), jnp.float32),
            pltpu.VMEM((BPW,), jnp.int32),
            pltpu.VMEM((BPW,), jnp.int32),
            pltpu.VMEM((K, EMBED), jnp.float32),
            pltpu.VMEM((K, EMBED), jnp.float32),
            pltpu.VMEM((K, EMBED), jnp.float32),
            pltpu.VMEM((K, EMBED), jnp.float32),
            pltpu.VMEM((K, EMBED), jnp.float32),
            pltpu.VMEM((K, EMBED), jnp.float32),
            pltpu.SemaphoreType.DMA,
            pltpu.SemaphoreType.DMA,
            pltpu.SemaphoreType.DMA,
            pltpu.SemaphoreType.DMA,
            pltpu.SemaphoreType.DMA,
            pltpu.SemaphoreType.DMA,
        ],
    )
    return run(pos_flat, row_embedding, col_embedding)


def kernel(patch_pos, row_embedding, col_embedding, eval=1):
    del eval
    pos_flat = patch_pos.transpose(1, 2, 0).reshape(4 * BATCH)
    rep = lambda t: jnp.broadcast_to(
        t[None], (REP, VOCAB, EMBED)).reshape(REP * VOCAB, EMBED)
    return _launch(pos_flat, rep(row_embedding), rep(col_embedding))

# --- scband reference (transcript-rebuilt; emitter-appended) ---
"""Pipeline reference for scband-image-position-encoding-37400575213939 (READ-ONLY COPY).

The authoritative reference and input builder live on the scoring server;
editing this copy changes nothing except your own understanding.
"""

import jax, jax.numpy as jnp
import numpy as np

VOCAB_SIZE = 128
EMBED_DIM = 2048
BATCH = 16384

def setup_inputs(seed: int = 0) -> dict:
    key = jax.random.key(seed)
    k1, k2, k3 = jax.random.split(key, 3)
    patch_pos = jax.random.uniform(k1, (BATCH, 2, 2), dtype=jnp.float32)
    row_embedding = jax.random.normal(k2, (VOCAB_SIZE, EMBED_DIM), dtype=jnp.float32) * 0.02
    col_embedding = jax.random.normal(k3, (VOCAB_SIZE, EMBED_DIM), dtype=jnp.float32) * 0.02
    return {"patch_pos": patch_pos, "row_embedding": row_embedding, "col_embedding": col_embedding, "eval": 1}

def reference(patch_pos, row_embedding, col_embedding, eval=1):
    vocab_size = row_embedding.shape[0]
    # quantize intervals: patch_pos[..., 0] -> rows (shape [B, 2] = [low, high]),
    # patch_pos[..., 1] -> cols
    quant_row_intervals = jnp.floor(patch_pos[..., 0] * vocab_size).astype(jnp.int32)
    quant_col_intervals = jnp.floor(patch_pos[..., 1] * vocab_size).astype(jnp.int32)
    quant_row_intervals = jnp.where(quant_row_intervals == vocab_size, vocab_size - 1, quant_row_intervals)
    quant_col_intervals = jnp.where(quant_col_intervals == vocab_size, vocab_size - 1, quant_col_intervals)
    # eval path: midpoint of the interval (deterministic)
    sampled_row_idx = (quant_row_intervals[..., 0] + quant_row_intervals[..., 1]) // 2
    sampled_col_idx = (quant_col_intervals[..., 0] + quant_col_intervals[..., 1]) // 2
    row_pos_encodings = jnp.take(row_embedding, sampled_row_idx, axis=0)
    col_pos_encodings = jnp.take(col_embedding, sampled_col_idx, axis=0)
    return row_pos_encodings + col_pos_encodings

if __name__ == "__main__":
    import jax
    _d = setup_inputs()
    print(jax.jit(kernel)(*tuple(_d.values())))

</pallas_src>

<mosaic_0001>
#map = affine_map<(d0, d1) -> (0)>
#map1 = affine_map<(d0, d1) -> (0, 0)>
module attributes {stable_mosaic.version = 14 : i64} {
  func.func @_body(%arg0: i32, %arg1: i32, %arg2: memref<65536xf32, #tpu.memory_space<hbm>>, %arg3: memref<512x2048xf32, #tpu.memory_space<hbm>>, %arg4: memref<512x2048xf32, #tpu.memory_space<hbm>>, %arg5: memref<16384x2048xf32, #tpu.memory_space<hbm>>, %arg6: memref<2048xf32, #tpu.memory_space<vmem>>, %arg7: memref<512xi32, #tpu.memory_space<vmem>>, %arg8: memref<512xi32, #tpu.memory_space<vmem>>, %arg9: memref<8x2048xf32, #tpu.memory_space<vmem>>, %arg10: memref<8x2048xf32, #tpu.memory_space<vmem>>, %arg11: memref<8x2048xf32, #tpu.memory_space<vmem>>, %arg12: memref<8x2048xf32, #tpu.memory_space<vmem>>, %arg13: memref<8x2048xf32, #tpu.memory_space<vmem>>, %arg14: memref<8x2048xf32, #tpu.memory_space<vmem>>, %arg15: memref<!tpu.dma_semaphore, #tpu.memory_space<semaphore_mem>>, %arg16: memref<!tpu.dma_semaphore, #tpu.memory_space<semaphore_mem>>, %arg17: memref<!tpu.dma_semaphore, #tpu.memory_space<semaphore_mem>>, %arg18: memref<!tpu.dma_semaphore, #tpu.memory_space<semaphore_mem>>, %arg19: memref<!tpu.dma_semaphore, #tpu.memory_space<semaphore_mem>>, %arg20: memref<!tpu.dma_semaphore, #tpu.memory_space<semaphore_mem>>) attributes {dimension_semantics = [#tpu.dimension_semantics<core_parallel>, #tpu.dimension_semantics<subcore_parallel>], iteration_bounds = array<i64: 2, 16>, scalar_prefetch = 0 : i64, scratch_operands = 15 : i64, tpu.core_type = #tpu.core_type<sc_vector_subcore>, window_params = [{transform_indices = #map}, {transform_indices = #map1}, {transform_indices = #map1}, {transform_indices = #map1}]} {
    %mul3A = arith.constant 2 : i32
    %mul3A_0 = arith.muli %arg1, %mul3A : i32
    %add3A = arith.addi %mul3A_0, %arg0 : i32
    %mul3A_1 = arith.constant 512 : i32
    %mul3A_2 = arith.muli %add3A, %mul3A_1 : i32
    %add3A_3 = arith.constant 0 : i32
    %add3A_4 = arith.addi %add3A_3, %mul3A_2 : i32
    "tpu.region"() ({
      %run_scoped3A = tpu.sem_alloc : memref<!tpu.dma_semaphore, #tpu.memory_space<semaphore_mem>>
      %dma_start3A_41 = arith.constant 0 : i32
      %dma_start3A_42 = tpu.memref_slice %arg6[%dma_start3A_41] : memref<2048xf32, #tpu.memory_space<vmem>> -> memref<512xf32, #tpu.memory_space<vmem>>
      %dma_start3A_43 = tpu.memref_slice %arg2[%add3A_4] : memref<65536xf32, #tpu.memory_space<hbm>> -> memref<512xf32, #tpu.memory_space<hbm>>
      %dma_start3A_44 = arith.constant 0 : i32
      %dma_start3A_45 = tpu.memref_slice %arg6[%dma_start3A_44] : memref<2048xf32, #tpu.memory_space<vmem>> -> memref<512xf32, #tpu.memory_space<vmem>>
      %dma_start3A_46 = tpu.memref_slice %arg2[%add3A_4] : memref<65536xf32, #tpu.memory_space<hbm>> -> memref<512xf32, #tpu.memory_space<hbm>>
      tpu.enqueue_dma source(%dma_start3A_46 : memref<512xf32, #tpu.memory_space<hbm>>) target(%dma_start3A_45 : memref<512xf32, #tpu.memory_space<vmem>>) target_semaphore(%run_scoped3A : memref<!tpu.dma_semaphore, #tpu.memory_space<semaphore_mem>>)
      %dma_wait3A_47 = arith.constant 0 : i32
      %dma_wait3A_48 = tpu.memref_slice %arg6[%dma_wait3A_47] : memref<2048xf32, #tpu.memory_space<vmem>> -> memref<512xf32, #tpu.memory_space<vmem>>
      %dma_wait3A_49 = tpu.memref_slice %arg2[%add3A_4] : memref<65536xf32, #tpu.memory_space<hbm>> -> memref<512xf32, #tpu.memory_space<hbm>>
      %dma_wait3A_50 = arith.constant 0 : i32
      %dma_wait3A_51 = tpu.memref_slice %arg6[%dma_wait3A_50] : memref<2048xf32, #tpu.memory_space<vmem>> -> memref<512xf32, #tpu.memory_space<vmem>>
      %dma_wait3A_52 = tpu.memref_slice %arg2[%add3A_4] : memref<65536xf32, #tpu.memory_space<hbm>> -> memref<512xf32, #tpu.memory_space<hbm>>
      tpu.wait_dma2 semaphore(%run_scoped3A : memref<!tpu.dma_semaphore, #tpu.memory_space<semaphore_mem>>) src(%dma_wait3A_52 : memref<512xf32, #tpu.memory_space<hbm>>) dst(%dma_wait3A_51 : memref<512xf32, #tpu.memory_space<vmem>>)
      tpu.yield
    }) : () -> ()
    %add3A_5 = arith.constant 16384 : i32
    %add3A_6 = arith.addi %add3A_5, %mul3A_2 : i32
    "tpu.region"() ({
      %run_scoped3A = tpu.sem_alloc : memref<!tpu.dma_semaphore, #tpu.memory_space<semaphore_mem>>
      %dma_start3A_41 = arith.constant 512 : i32
      %dma_start3A_42 = tpu.memref_slice %arg6[%dma_start3A_41] : memref<2048xf32, #tpu.memory_space<vmem>> -> memref<512xf32, #tpu.memory_space<vmem>>
      %dma_start3A_43 = tpu.memref_slice %arg2[%add3A_6] : memref<65536xf32, #tpu.memory_space<hbm>> -> memref<512xf32, #tpu.memory_space<hbm>>
      %dma_start3A_44 = arith.constant 512 : i32
      %dma_start3A_45 = tpu.memref_slice %arg6[%dma_start3A_44] : memref<2048xf32, #tpu.memory_space<vmem>> -> memref<512xf32, #tpu.memory_space<vmem>>
      %dma_start3A_46 = tpu.memref_slice %arg2[%add3A_6] : memref<65536xf32, #tpu.memory_space<hbm>> -> memref<512xf32, #tpu.memory_space<hbm>>
      tpu.enqueue_dma source(%dma_start3A_46 : memref<512xf32, #tpu.memory_space<hbm>>) target(%dma_start3A_45 : memref<512xf32, #tpu.memory_space<vmem>>) target_semaphore(%run_scoped3A : memref<!tpu.dma_semaphore, #tpu.memory_space<semaphore_mem>>)
      %dma_wait3A_47 = arith.constant 512 : i32
      %dma_wait3A_48 = tpu.memref_slice %arg6[%dma_wait3A_47] : memref<2048xf32, #tpu.memory_space<vmem>> -> memref<512xf32, #tpu.memory_space<vmem>>
      %dma_wait3A_49 = tpu.memref_slice %arg2[%add3A_6] : memref<65536xf32, #tpu.memory_space<hbm>> -> memref<512xf32, #tpu.memory_space<hbm>>
      %dma_wait3A_50 = arith.constant 512 : i32
      %dma_wait3A_51 = tpu.memref_slice %arg6[%dma_wait3A_50] : memref<2048xf32, #tpu.memory_space<vmem>> -> memref<512xf32, #tpu.memory_space<vmem>>
      %dma_wait3A_52 = tpu.memref_slice %arg2[%add3A_6] : memref<65536xf32, #tpu.memory_space<hbm>> -> memref<512xf32, #tpu.memory_space<hbm>>
      tpu.wait_dma2 semaphore(%run_scoped3A : memref<!tpu.dma_semaphore, #tpu.memory_space<semaphore_mem>>) src(%dma_wait3A_52 : memref<512xf32, #tpu.memory_space<hbm>>) dst(%dma_wait3A_51 : memref<512xf32, #tpu.memory_space<vmem>>)
      tpu.yield
    }) : () -> ()
    %add3A_7 = arith.constant 32768 : i32
    %add3A_8 = arith.addi %add3A_7, %mul3A_2 : i32
    "tpu.region"() ({
      %run_scoped3A = tpu.sem_alloc : memref<!tpu.dma_semaphore, #tpu.memory_space<semaphore_mem>>
      %dma_start3A_41 = arith.constant 1024 : i32
      %dma_start3A_42 = tpu.memref_slice %arg6[%dma_start3A_41] : memref<2048xf32, #tpu.memory_space<vmem>> -> memref<512xf32, #tpu.memory_space<vmem>>
      %dma_start3A_43 = tpu.memref_slice %arg2[%add3A_8] : memref<65536xf32, #tpu.memory_space<hbm>> -> memref<512xf32, #tpu.memory_space<hbm>>
      %dma_start3A_44 = arith.constant 1024 : i32
      %dma_start3A_45 = tpu.memref_slice %arg6[%dma_start3A_44] : memref<2048xf32, #tpu.memory_space<vmem>> -> memref<512xf32, #tpu.memory_space<vmem>>
      %dma_start3A_46 = tpu.memref_slice %arg2[%add3A_8] : memref<65536xf32, #tpu.memory_space<hbm>> -> memref<512xf32, #tpu.memory_space<hbm>>
      tpu.enqueue_dma source(%dma_start3A_46 : memref<512xf32, #tpu.memory_space<hbm>>) target(%dma_start3A_45 : memref<512xf32, #tpu.memory_space<vmem>>) target_semaphore(%run_scoped3A : memref<!tpu.dma_semaphore, #tpu.memory_space<semaphore_mem>>)
      %dma_wait3A_47 = arith.constant 1024 : i32
      %dma_wait3A_48 = tpu.memref_slice %arg6[%dma_wait3A_47] : memref<2048xf32, #tpu.memory_space<vmem>> -> memref<512xf32, #tpu.memory_space<vmem>>
      %dma_wait3A_49 = tpu.memref_slice %arg2[%add3A_8] : memref<65536xf32, #tpu.memory_space<hbm>> -> memref<512xf32, #tpu.memory_space<hbm>>
      %dma_wait3A_50 = arith.constant 1024 : i32
      %dma_wait3A_51 = tpu.memref_slice %arg6[%dma_wait3A_50] : memref<2048xf32, #tpu.memory_space<vmem>> -> memref<512xf32, #tpu.memory_space<vmem>>
      %dma_wait3A_52 = tpu.memref_slice %arg2[%add3A_8] : memref<65536xf32, #tpu.memory_space<hbm>> -> memref<512xf32, #tpu.memory_space<hbm>>
      tpu.wait_dma2 semaphore(%run_scoped3A : memref<!tpu.dma_semaphore, #tpu.memory_space<semaphore_mem>>) src(%dma_wait3A_52 : memref<512xf32, #tpu.memory_space<hbm>>) dst(%dma_wait3A_51 : memref<512xf32, #tpu.memory_space<vmem>>)
      tpu.yield
    }) : () -> ()
    %add3A_9 = arith.constant 49152 : i32
    %add3A_10 = arith.addi %add3A_9, %mul3A_2 : i32
    "tpu.region"() ({
      %run_scoped3A = tpu.sem_alloc : memref<!tpu.dma_semaphore, #tpu.memory_space<semaphore_mem>>
      %dma_start3A_41 = arith.constant 1536 : i32
      %dma_start3A_42 = tpu.memref_slice %arg6[%dma_start3A_41] : memref<2048xf32, #tpu.memory_space<vmem>> -> memref<512xf32, #tpu.memory_space<vmem>>
      %dma_start3A_43 = tpu.memref_slice %arg2[%add3A_10] : memref<65536xf32, #tpu.memory_space<hbm>> -> memref<512xf32, #tpu.memory_space<hbm>>
      %dma_start3A_44 = arith.constant 1536 : i32
      %dma_start3A_45 = tpu.memref_slice %arg6[%dma_start3A_44] : memref<2048xf32, #tpu.memory_space<vmem>> -> memref<512xf32, #tpu.memory_space<vmem>>
      %dma_start3A_46 = tpu.memref_slice %arg2[%add3A_10] : memref<65536xf32, #tpu.memory_space<hbm>> -> memref<512xf32, #tpu.memory_space<hbm>>
      tpu.enqueue_dma source(%dma_start3A_46 : memref<512xf32, #tpu.memory_space<hbm>>) target(%dma_start3A_45 : memref<512xf32, #tpu.memory_space<vmem>>) target_semaphore(%run_scoped3A : memref<!tpu.dma_semaphore, #tpu.memory_space<semaphore_mem>>)
      %dma_wait3A_47 = arith.constant 1536 : i32
      %dma_wait3A_48 = tpu.memref_slice %arg6[%dma_wait3A_47] : memref<2048xf32, #tpu.memory_space<vmem>> -> memref<512xf32, #tpu.memory_space<vmem>>
      %dma_wait3A_49 = tpu.memref_slice %arg2[%add3A_10] : memref<65536xf32, #tpu.memory_space<hbm>> -> memref<512xf32, #tpu.memory_space<hbm>>
      %dma_wait3A_50 = arith.constant 1536 : i32
      %dma_wait3A_51 = tpu.memref_slice %arg6[%dma_wait3A_50] : memref<2048xf32, #tpu.memory_space<vmem>> -> memref<512xf32, #tpu.memory_space<vmem>>
      %dma_wait3A_52 = tpu.memref_slice %arg2[%add3A_10] : memref<65536xf32, #tpu.memory_space<hbm>> -> memref<512xf32, #tpu.memory_space<hbm>>
      tpu.wait_dma2 semaphore(%run_scoped3A : memref<!tpu.dma_semaphore, #tpu.memory_space<semaphore_mem>>) src(%dma_wait3A_52 : memref<512xf32, #tpu.memory_space<hbm>>) dst(%dma_wait3A_51 : memref<512xf32, #tpu.memory_space<vmem>>)
      tpu.yield
    }) : () -> ()
    %rem3A = arith.constant 4 : i32
    %rem3A_11 = arith.remsi %add3A, %rem3A : i32
    %mul3A_12 = arith.constant 128 : i32
    %mul3A_13 = arith.muli %rem3A_11, %mul3A_12 : i32
    %scan3A = arith.constant 0 : i32
    %scan3A_14 = arith.constant 0 : i32
    %scan3A_15 = arith.constant 32 : i32
    %scan3A_16 = arith.addi %scan3A_14, %scan3A_15 : i32
    %scan3A_17 = arith.constant 1 : i32
    scf.for %scan3A_41 = %scan3A_14 to %scan3A_16 step %scan3A_17  : i32 {
      %mul3A_42 = arith.constant 16 : i32
      %mul3A_43 = arith.muli %scan3A_41, %mul3A_42 : i32
      %add3A_44 = arith.constant 0 : i32
      %add3A_45 = arith.addi %add3A_44, %mul3A_43 : i32
      %get3A = arith.index_cast %add3A_45 : i32 to index
      %get3A_46 = tpu.vector_load %arg6[%get3A] {strides = array<i32>} : memref<2048xf32, #tpu.memory_space<vmem>>, vector<16xf32>,
      %mul3A_47 = arith.constant 16 : i32
      %mul3A_48 = arith.muli %scan3A_41, %mul3A_47 : i32
      %add3A_49 = arith.constant 512 : i32
      %add3A_50 = arith.addi %add3A_49, %mul3A_48 : i32
      %get3A_51 = arith.index_cast %add3A_50 : i32 to index
      %get3A_52 = tpu.vector_load %arg6[%get3A_51] {strides = array<i32>} : memref<2048xf32, #tpu.memory_space<vmem>>, vector<16xf32>,
      %mul3A_53 = arith.constant 16 : i32
      %mul3A_54 = arith.muli %scan3A_41, %mul3A_53 : i32
      %add3A_55 = arith.constant 1024 : i32
      %add3A_56 = arith.addi %add3A_55, %mul3A_54 : i32
      %get3A_57 = arith.index_cast %add3A_56 : i32 to index
      %get3A_58 = tpu.vector_load %arg6[%get3A_57] {strides = array<i32>} : memref<2048xf32, #tpu.memory_space<vmem>>, vector<16xf32>,
      %mul3A_59 = arith.constant 16 : i32
      %mul3A_60 = arith.muli %scan3A_41, %mul3A_59 : i32
      %add3A_61 = arith.constant 1536 : i32
      %add3A_62 = arith.addi %add3A_61, %mul3A_60 : i32
      %get3A_63 = arith.index_cast %add3A_62 : i32 to index
      %get3A_64 = tpu.vector_load %arg6[%get3A_63] {strides = array<i32>} : memref<2048xf32, #tpu.memory_space<vmem>>, vector<16xf32>,
      %mul3A_65 = arith.constant 1.280000e+02 : f32
      %mul3A_66 = vector.broadcast %mul3A_65 : f32 to vector<16xf32>
      %mul3A_67 = arith.mulf %get3A_46, %mul3A_66 : vector<16xf32>
      %convert_element_type3A = arith.fptosi %mul3A_67 : vector<16xf32> to vector<16xi32>
      %min3A = arith.constant 127 : i32
      %min3A_68 = vector.broadcast %min3A : i32 to vector<16xi32>
      %min3A_69 = arith.minsi %convert_element_type3A, %min3A_68 : vector<16xi32>
      %mul3A_70 = arith.constant 1.280000e+02 : f32
      %mul3A_71 = vector.broadcast %mul3A_70 : f32 to vector<16xf32>
      %mul3A_72 = arith.mulf %get3A_58, %mul3A_71 : vector<16xf32>
      %convert_element_type3A_73 = arith.fptosi %mul3A_72 : vector<16xf32> to vector<16xi32>
      %min3A_74 = arith.constant 127 : i32
      %min3A_75 = vector.broadcast %min3A_74 : i32 to vector<16xi32>
      %min3A_76 = arith.minsi %convert_element_type3A_73, %min3A_75 : vector<16xi32>
      %add3A_77 = arith.addi %min3A_69, %min3A_76 : vector<16xi32>
      %shift_right_logical3A = arith.constant 1 : i32
      %shift_right_logical3A_78 = vector.broadcast %shift_right_logical3A : i32 to vector<16xi32>
      %shift_right_logical3A_79 = arith.shrui %add3A_77, %shift_right_logical3A_78 : vector<16xi32>
      %mul3A_80 = arith.constant 1.280000e+02 : f32
      %mul3A_81 = vector.broadcast %mul3A_80 : f32 to vector<16xf32>
      %mul3A_82 = arith.mulf %get3A_52, %mul3A_81 : vector<16xf32>
      %convert_element_type3A_83 = arith.fptosi %mul3A_82 : vector<16xf32> to vector<16xi32>
      %min3A_84 = arith.constant 127 : i32
      %min3A_85 = vector.broadcast %min3A_84 : i32 to vector<16xi32>
      %min3A_86 = arith.minsi %convert_element_type3A_83, %min3A_85 : vector<16xi32>
      %mul3A_87 = arith.constant 1.280000e+02 : f32
      %mul3A_88 = vector.broadcast %mul3A_87 : f32 to vector<16xf32>
      %mul3A_89 = arith.mulf %get3A_64, %mul3A_88 : vector<16xf32>
      %convert_element_type3A_90 = arith.fptosi %mul3A_89 : vector<16xf32> to vector<16xi32>
      %min3A_91 = arith.constant 127 : i32
      %min3A_92 = vector.broadcast %min3A_91 : i32 to vector<16xi32>
      %min3A_93 = arith.minsi %convert_element_type3A_90, %min3A_92 : vector<16xi32>
      %add3A_94 = arith.addi %min3A_86, %min3A_93 : vector<16xi32>
      %shift_right_logical3A_95 = arith.constant 1 : i32
      %shift_right_logical3A_96 = vector.broadcast %shift_right_logical3A_95 : i32 to vector<16xi32>
      %shift_right_logical3A_97 = arith.shrui %add3A_94, %shift_right_logical3A_96 : vector<16xi32>
      %add3A_98 = vector.broadcast %mul3A_13 : i32 to vector<16xi32>
      %add3A_99 = arith.addi %shift_right_logical3A_79, %add3A_98 : vector<16xi32>
      %mul3A_100 = arith.constant 16 : i32
      %mul3A_101 = arith.muli %scan3A_41, %mul3A_100 : i32
      %swap3A = arith.index_cast %mul3A_101 : i32 to index
      %swap3A_102 = tpu.vector_load %arg7[%swap3A] {strides = array<i32>} : memref<512xi32, #tpu.memory_space<vmem>>, vector<16xi32>,
      tpu.vector_store %arg7[%swap3A], %add3A_99 {strides = array<i32>} : memref<512xi32, #tpu.memory_space<vmem>>, vector<16xi32>,
      %add3A_103 = vector.broadcast %mul3A_13 : i32 to vector<16xi32>
      %add3A_104 = arith.addi %shift_right_logical3A_97, %add3A_103 : vector<16xi32>
      %mul3A_105 = arith.constant 16 : i32
      %mul3A_106 = arith.muli %scan3A_41, %mul3A_105 : i32
      %swap3A_107 = arith.index_cast %mul3A_106 : i32 to index
      %swap3A_108 = tpu.vector_load %arg8[%swap3A_107] {strides = array<i32>} : memref<512xi32, #tpu.memory_space<vmem>>, vector<16xi32>,
      tpu.vector_store %arg8[%swap3A_107], %add3A_104 {strides = array<i32>} : memref<512xi32, #tpu.memory_space<vmem>>, vector<16xi32>,
    }
    %scan3A_18 = arith.constant 32 : i32
    %dma_start3A = arith.constant 0 : i32
    %dma_start3A_19 = tpu.memref_slice %arg7[%dma_start3A] : memref<512xi32, #tpu.memory_space<vmem>> -> memref<8xi32, #tpu.memory_space<vmem>>
    %dma_start3A_20 = arith.constant 0 : i32
    %dma_start3A_21 = arith.constant 0 : i32
    %dma_start3A_22 = tpu.memref_slice %arg3[%dma_start3A_20, %dma_start3A_21] : memref<512x2048xf32, #tpu.memory_space<hbm>> -> memref<512x2048xf32, #tpu.memory_space<hbm>>
    tpu.enqueue_indirect_dma source(%dma_start3A_22 : memref<512x2048xf32, #tpu.memory_space<hbm>>) target(%arg9 : memref<8x2048xf32, #tpu.memory_space<vmem>>) offsets(%dma_start3A_19 : memref<8xi32, #tpu.memory_space<vmem>>) semaphore(%arg15 : memref<!tpu.dma_semaphore, #tpu.memory_space<semaphore_mem>>)
    %dma_start3A_23 = arith.constant 0 : i32
    %dma_start3A_24 = tpu.memref_slice %arg8[%dma_start3A_23] : memref<512xi32, #tpu.memory_space<vmem>> -> memref<8xi32, #tpu.memory_space<vmem>>
    %dma_start3A_25 = arith.constant 0 : i32
    %dma_start3A_26 = arith.constant 0 : i32
    %dma_start3A_27 = tpu.memref_slice %arg4[%dma_start3A_25, %dma_start3A_26] : memref<512x2048xf32, #tpu.memory_space<hbm>> -> memref<512x2048xf32, #tpu.memory_space<hbm>>
    tpu.enqueue_indirect_dma source(%dma_start3A_27 : memref<512x2048xf32, #tpu.memory_space<hbm>>) target(%arg10 : memref<8x2048xf32, #tpu.memory_space<vmem>>) offsets(%dma_start3A_24 : memref<8xi32, #tpu.memory_space<vmem>>) semaphore(%arg16 : memref<!tpu.dma_semaphore, #tpu.memory_space<semaphore_mem>>)
    %scan3A_28 = arith.constant 0 : i32
    %scan3A_29 = arith.constant 0 : i32
    %scan3A_30 = arith.constant 32 : i32
    %scan3A_31 = arith.addi %scan3A_29, %scan3A_30 : i32
    %scan3A_32 = arith.constant 1 : i32
    scf.for %scan3A_41 = %scan3A_29 to %scan3A_31 step %scan3A_32  : i32 {
      %mul3A_42 = arith.constant 2 : i32
      %mul3A_43 = arith.muli %mul3A_42, %scan3A_41 : i32
      %add3A_44 = arith.constant 1 : i32
      %add3A_45 = arith.addi %mul3A_43, %add3A_44 : i32
      %mul3A_46 = arith.constant 8 : i32
      %mul3A_47 = arith.muli %add3A_45, %mul3A_46 : i32
      %dma_start3A_48 = tpu.memref_slice %arg7[%mul3A_47] : memref<512xi32, #tpu.memory_space<vmem>> -> memref<8xi32, #tpu.memory_space<vmem>>
      %dma_start3A_49 = arith.constant 0 : i32
      %dma_start3A_50 = arith.constant 0 : i32
      %dma_start3A_51 = tpu.memref_slice %arg3[%dma_start3A_49, %dma_start3A_50] : memref<512x2048xf32, #tpu.memory_space<hbm>> -> memref<512x2048xf32, #tpu.memory_space<hbm>>
      tpu.enqueue_indirect_dma source(%dma_start3A_51 : memref<512x2048xf32, #tpu.memory_space<hbm>>) target(%arg11 : memref<8x2048xf32, #tpu.memory_space<vmem>>) offsets(%dma_start3A_48 : memref<8xi32, #tpu.memory_space<vmem>>) semaphore(%arg17 : memref<!tpu.dma_semaphore, #tpu.memory_space<semaphore_mem>>)
      %mul3A_52 = arith.constant 8 : i32
      %mul3A_53 = arith.muli %add3A_45, %mul3A_52 : i32
      %dma_start3A_54 = tpu.memref_slice %arg8[%mul3A_53] : memref<512xi32, #tpu.memory_space<vmem>> -> memref<8xi32, #tpu.memory_space<vmem>>
      %dma_start3A_55 = arith.constant 0 : i32
      %dma_start3A_56 = arith.constant 0 : i32
      %dma_start3A_57 = tpu.memref_slice %arg4[%dma_start3A_55, %dma_start3A_56] : memref<512x2048xf32, #tpu.memory_space<hbm>> -> memref<512x2048xf32, #tpu.memory_space<hbm>>
      tpu.enqueue_indirect_dma source(%dma_start3A_57 : memref<512x2048xf32, #tpu.memory_space<hbm>>) target(%arg12 : memref<8x2048xf32, #tpu.memory_space<vmem>>) offsets(%dma_start3A_54 : memref<8xi32, #tpu.memory_space<vmem>>) semaphore(%arg18 : memref<!tpu.dma_semaphore, #tpu.memory_space<semaphore_mem>>)
      %mul3A_58 = arith.constant 8 : i32
      %mul3A_59 = arith.muli %mul3A_43, %mul3A_58 : i32
      %dma_wait3A_60 = tpu.memref_slice %arg7[%mul3A_59] : memref<512xi32, #tpu.memory_space<vmem>> -> memref<8xi32, #tpu.memory_space<vmem>>
      %dma_wait3A_61 = arith.constant 0 : i32
      %dma_wait3A_62 = arith.constant 0 : i32
      %dma_wait3A_63 = tpu.memref_slice %arg3[%dma_wait3A_61, %dma_wait3A_62] : memref<512x2048xf32, #tpu.memory_space<hbm>> -> memref<512x2048xf32, #tpu.memory_space<hbm>>
      tpu.wait_indirect_dma semaphore(%arg15 : memref<!tpu.dma_semaphore, #tpu.memory_space<semaphore_mem>>) src(%dma_wait3A_63 : memref<512x2048xf32, #tpu.memory_space<hbm>>) dst(%arg9 : memref<8x2048xf32, #tpu.memory_space<vmem>>)
      %mul3A_64 = arith.constant 8 : i32
      %mul3A_65 = arith.muli %mul3A_43, %mul3A_64 : i32
      %dma_wait3A_66 = tpu.memref_slice %arg8[%mul3A_65] : memref<512xi32, #tpu.memory_space<vmem>> -> memref<8xi32, #tpu.memory_space<vmem>>
      %dma_wait3A_67 = arith.constant 0 : i32
      %dma_wait3A_68 = arith.constant 0 : i32
      %dma_wait3A_69 = tpu.memref_slice %arg4[%dma_wait3A_67, %dma_wait3A_68] : memref<512x2048xf32, #tpu.memory_space<hbm>> -> memref<512x2048xf32, #tpu.memory_space<hbm>>
      tpu.wait_indirect_dma semaphore(%arg16 : memref<!tpu.dma_semaphore, #tpu.memory_space<semaphore_mem>>) src(%dma_wait3A_69 : memref<512x2048xf32, #tpu.memory_space<hbm>>) dst(%arg10 : memref<8x2048xf32, #tpu.memory_space<vmem>>)
      %gt3A = arith.constant 0 : i32
      %gt3A_70 = arith.cmpi sgt, %scan3A_41, %gt3A : i32
      %convert_element_type3A = arith.extui %gt3A_70 : i1 to i32
      %cond3A = arith.constant 0 : i32
      %cond3A_71 = arith.cmpi ne, %convert_element_type3A, %cond3A : i32
      scf.if %cond3A_71 {
        %dma_wait3A_119 = arith.constant 0 : i32
        %dma_wait3A_120 = tpu.memref_slice %arg5[%mul3A_2, %dma_wait3A_119] : memref<16384x2048xf32, #tpu.memory_space<hbm>> -> memref<8x2048xf32, #tpu.memory_space<hbm>>
        %dma_wait3A_121 = arith.constant 0 : i32
        %dma_wait3A_122 = tpu.memref_slice %arg5[%mul3A_2, %dma_wait3A_121] : memref<16384x2048xf32, #tpu.memory_space<hbm>> -> memref<8x2048xf32, #tpu.memory_space<hbm>>
        tpu.wait_dma2 semaphore(%arg19 : memref<!tpu.dma_semaphore, #tpu.memory_space<semaphore_mem>>) src(%arg13 : memref<8x2048xf32, #tpu.memory_space<vmem>>) dst(%dma_wait3A_122 : memref<8x2048xf32, #tpu.memory_space<hbm>>)
      } else {
      }
      %scan3A_72 = arith.constant 0 : i32
      %scan3A_73 = arith.constant 0 : i32
      %scan3A_74 = arith.constant 128 : i32
      %scan3A_75 = arith.addi %scan3A_73, %scan3A_74 : i32
      %scan3A_76 = arith.constant 1 : i32
      scf.for %scan3A_119 = %scan3A_73 to %scan3A_75 step %scan3A_76  : i32 {
        %mul3A_120 = arith.constant 16 : i32
        %mul3A_121 = arith.muli %scan3A_119, %mul3A_120 : i32
        %get3A = arith.constant 0 : i32
        %get3A_122 = arith.index_cast %get3A : i32 to index
        %get3A_123 = arith.index_cast %mul3A_121 : i32 to index
        %get3A_124 = tpu.vector_load %arg9[%get3A_122, %get3A_123] {strides = array<i32>} : memref<8x2048xf32, #tpu.memory_space<vmem>>, vector<16xf32>,
        %get3A_125 = arith.constant 0 : i32
        %get3A_126 = arith.index_cast %get3A_125 : i32 to index
        %get3A_127 = arith.index_cast %mul3A_121 : i32 to index
        %get3A_128 = tpu.vector_load %arg10[%get3A_126, %get3A_127] {strides = array<i32>} : memref<8x2048xf32, #tpu.memory_space<vmem>>, vector<16xf32>,
        %add3A_129 = arith.addf %get3A_124, %get3A_128 : vector<16xf32>
        %swap3A = arith.constant 0 : i32
        %swap3A_130 = arith.index_cast %swap3A : i32 to index
        %swap3A_131 = arith.index_cast %mul3A_121 : i32 to index
        %swap3A_132 = tpu.vector_load %arg13[%swap3A_130, %swap3A_131] {strides = array<i32>} : memref<8x2048xf32, #tpu.memory_space<vmem>>, vector<16xf32>,
        tpu.vector_store %arg13[%swap3A_130, %swap3A_131], %add3A_129 {strides = array<i32>} : memref<8x2048xf32, #tpu.memory_space<vmem>>, vector<16xf32>,
        %mul3A_133 = arith.constant 16 : i32
        %mul3A_134 = arith.muli %scan3A_119, %mul3A_133 : i32
        %get3A_135 = arith.constant 1 : i32
        %get3A_136 = arith.index_cast %get3A_135 : i32 to index
        %get3A_137 = arith.index_cast %mul3A_134 : i32 to index
        %get3A_138 = tpu.vector_load %arg9[%get3A_136, %get3A_137] {strides = array<i32>} : memref<8x2048xf32, #tpu.memory_space<vmem>>, vector<16xf32>,
        %get3A_139 = arith.constant 1 : i32
        %get3A_140 = arith.index_cast %get3A_139 : i32 to index
        %get3A_141 = arith.index_cast %mul3A_134 : i32 to index
        %get3A_142 = tpu.vector_load %arg10[%get3A_140, %get3A_141] {strides = array<i32>} : memref<8x2048xf32, #tpu.memory_space<vmem>>, vector<16xf32>,
        %add3A_143 = arith.addf %get3A_138, %get3A_142 : vector<16xf32>
        %swap3A_144 = arith.constant 1 : i32
        %swap3A_145 = arith.index_cast %swap3A_144 : i32 to index
        %swap3A_146 = arith.index_cast %mul3A_134 : i32 to index
        %swap3A_147 = tpu.vector_load %arg13[%swap3A_145, %swap3A_146] {strides = array<i32>} : memref<8x2048xf32, #tpu.memory_space<vmem>>, vector<16xf32>,
        tpu.vector_store %arg13[%swap3A_145, %swap3A_146], %add3A_143 {strides = array<i32>} : memref<8x2048xf32, #tpu.memory_space<vmem>>, vector<16xf32>,
        %mul3A_148 = arith.constant 16 : i32
        %mul3A_149 = arith.muli %scan3A_119, %mul3A_148 : i32
        %get3A_150 = arith.constant 2 : i32
        %get3A_151 = arith.index_cast %get3A_150 : i32 to index
        %get3A_152 = arith.index_cast %mul3A_149 : i32 to index
        %get3A_153 = tpu.vector_load %arg9[%get3A_151, %get3A_152] {strides = array<i32>} : memref<8x2048xf32, #tpu.memory_space<vmem>>, vector<16xf32>,
        %get3A_154 = arith.constant 2 : i32
        %get3A_155 = arith.index_cast %get3A_154 : i32 to index
        %get3A_156 = arith.index_cast %mul3A_149 : i32 to index
        %get3A_157 = tpu.vector_load %arg10[%get3A_155, %get3A_156] {strides = array<i32>} : memref<8x2048xf32, #tpu.memory_space<vmem>>, vector<16xf32>,
        %add3A_158 = arith.addf %get3A_153, %get3A_157 : vector<16xf32>
        %swap3A_159 = arith.constant 2 : i32
        %swap3A_160 = arith.index_cast %swap3A_159 : i32 to index
        %swap3A_161 = arith.index_cast %mul3A_149 : i32 to index
        %swap3A_162 = tpu.vector_load %arg13[%swap3A_160, %swap3A_161] {strides = array<i32>} : memref<8x2048xf32, #tpu.memory_space<vmem>>, vector<16xf32>,
        tpu.vector_store %arg13[%swap3A_160, %swap3A_161], %add3A_158 {strides = array<i32>} : memref<8x2048xf32, #tpu.memory_space<vmem>>, vector<16xf32>,
        %mul3A_163 = arith.constant 16 : i32
        %mul3A_164 = arith.muli %scan3A_119, %mul3A_163 : i32
        %get3A_165 = arith.constant 3 : i32
        %get3A_166 = arith.index_cast %get3A_165 : i32 to index
        %get3A_167 = arith.index_cast %mul3A_164 : i32 to index
        %get3A_168 = tpu.vector_load %arg9[%get3A_166, %get3A_167] {strides = array<i32>} : memref<8x2048xf32, #tpu.memory_space<vmem>>, vector<16xf32>,
        %get3A_169 = arith.constant 3 : i32
        %get3A_170 = arith.index_cast %get3A_169 : i32 to index
        %get3A_171 = arith.index_cast %mul3A_164 : i32 to index
        %get3A_172 = tpu.vector_load %arg10[%get3A_170, %get3A_171] {strides = array<i32>} : memref<8x2048xf32, #tpu.memory_space<vmem>>, vector<16xf32>,
        %add3A_173 = arith.addf %get3A_168, %get3A_172 : vector<16xf32>
        %swap3A_174 = arith.constant 3 : i32
        %swap3A_175 = arith.index_cast %swap3A_174 : i32 to index
        %swap3A_176 = arith.index_cast %mul3A_164 : i32 to index
        %swap3A_177 = tpu.vector_load %arg13[%swap3A_175, %swap3A_176] {strides = array<i32>} : memref<8x2048xf32, #tpu.memory_space<vmem>>, vector<16xf32>,
        tpu.vector_store %arg13[%swap3A_175, %swap3A_176], %add3A_173 {strides = array<i32>} : memref<8x2048xf32, #tpu.memory_space<vmem>>, vector<16xf32>,
        %mul3A_178 = arith.constant 16 : i32
        %mul3A_179 = arith.muli %scan3A_119, %mul3A_178 : i32
        %get3A_180 = arith.constant 4 : i32
        %get3A_181 = arith.index_cast %get3A_180 : i32 to index
        %get3A_182 = arith.index_cast %mul3A_179 : i32 to index
        %get3A_183 = tpu.vector_load %arg9[%get3A_181, %get3A_182] {strides = array<i32>} : memref<8x2048xf32, #tpu.memory_space<vmem>>, vector<16xf32>,
        %get3A_184 = arith.constant 4 : i32
        %get3A_185 = arith.index_cast %get3A_184 : i32 to index
        %get3A_186 = arith.index_cast %mul3A_179 : i32 to index
        %get3A_187 = tpu.vector_load %arg10[%get3A_185, %get3A_186] {strides = array<i32>} : memref<8x2048xf32, #tpu.memory_space<vmem>>, vector<16xf32>,
        %add3A_188 = arith.addf %get3A_183, %get3A_187 : vector<16xf32>
        %swap3A_189 = arith.constant 4 : i32
        %swap3A_190 = arith.index_cast %swap3A_189 : i32 to index
        %swap3A_191 = arith.index_cast %mul3A_179 : i32 to index
        %swap3A_192 = tpu.vector_load %arg13[%swap3A_190, %swap3A_191] {strides = array<i32>} : memref<8x2048xf32, #tpu.memory_space<vmem>>, vector<16xf32>,
        tpu.vector_store %arg13[%swap3A_190, %swap3A_191], %add3A_188 {strides = array<i32>} : memref<8x2048xf32, #tpu.memory_space<vmem>>, vector<16xf32>,
        %mul3A_193 = arith.constant 16 : i32
        %mul3A_194 = arith.muli %scan3A_119, %mul3A_193 : i32
        %get3A_195 = arith.constant 5 : i32
        %get3A_196 = arith.index_cast %get3A_195 : i32 to index
        %get3A_197 = arith.index_cast %mul3A_194 : i32 to index
        %get3A_198 = tpu.vector_load %arg9[%get3A_196, %get3A_197] {strides = array<i32>} : memref<8x2048xf32, #tpu.memory_space<vmem>>, vector<16xf32>,
        %get3A_199 = arith.constant 5 : i32
        %get3A_200 = arith.index_cast %get3A_199 : i32 to index
        %get3A_201 = arith.index_cast %mul3A_194 : i32 to index
        %get3A_202 = tpu.vector_load %arg10[%get3A_200, %get3A_201] {strides = array<i32>} : memref<8x2048xf32, #tpu.memory_space<vmem>>, vector<16xf32>,
        %add3A_203 = arith.addf %get3A_198, %get3A_202 : vector<16xf32>
        %swap3A_204 = arith.constant 5 : i32
        %swap3A_205 = arith.index_cast %swap3A_204 : i32 to index
        %swap3A_206 = arith.index_cast %mul3A_194 : i32 to index
        %swap3A_207 = tpu.vector_load %arg13[%swap3A_205, %swap3A_206] {strides = array<i32>} : memref<8x2048xf32, #tpu.memory_space<vmem>>, vector<16xf32>,
        tpu.vector_store %arg13[%swap3A_205, %swap3A_206], %add3A_203 {strides = array<i32>} : memref<8x2048xf32, #tpu.memory_space<vmem>>, vector<16xf32>,
        %mul3A_208 = arith.constant 16 : i32
        %mul3A_209 = arith.muli %scan3A_119, %mul3A_208 : i32
        %get3A_210 = arith.constant 6 : i32
        %get3A_211 = arith.index_cast %get3A_210 : i32 to index
        %get3A_212 = arith.index_cast %mul3A_209 : i32 to index
        %get3A_213 = tpu.vector_load %arg9[%get3A_211, %get3A_212] {strides = array<i32>} : memref<8x2048xf32, #tpu.memory_space<vmem>>, vector<16xf32>,
        %get3A_214 = arith.constant 6 : i32
        %get3A_215 = arith.index_cast %get3A_214 : i32 to index
        %get3A_216 = arith.index_cast %mul3A_209 : i32 to index
        %get3A_217 = tpu.vector_load %arg10[%get3A_215, %get3A_216] {strides = array<i32>} : memref<8x2048xf32, #tpu.memory_space<vmem>>, vector<16xf32>,
        %add3A_218 = arith.addf %get3A_213, %get3A_217 : vector<16xf32>
        %swap3A_219 = arith.constant 6 : i32
        %swap3A_220 = arith.index_cast %swap3A_219 : i32 to index
        %swap3A_221 = arith.index_cast %mul3A_209 : i32 to index
        %swap3A_222 = tpu.vector_load %arg13[%swap3A_220, %swap3A_221] {strides = array<i32>} : memref<8x2048xf32, #tpu.memory_space<vmem>>, vector<16xf32>,
        tpu.vector_store %arg13[%swap3A_220, %swap3A_221], %add3A_218 {strides = array<i32>} : memref<8x2048xf32, #tpu.memory_space<vmem>>, vector<16xf32>,
        %mul3A_223 = arith.constant 16 : i32
        %mul3A_224 = arith.muli %scan3A_119, %mul3A_223 : i32
        %get3A_225 = arith.constant 7 : i32
        %get3A_226 = arith.index_cast %get3A_225 : i32 to index
        %get3A_227 = arith.index_cast %mul3A_224 : i32 to index
        %get3A_228 = tpu.vector_load %arg9[%get3A_226, %get3A_227] {strides = array<i32>} : memref<8x2048xf32, #tpu.memory_space<vmem>>, vector<16xf32>,
        %get3A_229 = arith.constant 7 : i32
        %get3A_230 = arith.index_cast %get3A_229 : i32 to index
        %get3A_231 = arith.index_cast %mul3A_224 : i32 to index
        %get3A_232 = tpu.vector_load %arg10[%get3A_230, %get3A_231] {strides = array<i32>} : memref<8x2048xf32, #tpu.memory_space<vmem>>, vector<16xf32>,
        %add3A_233 = arith.addf %get3A_228, %get3A_232 : vector<16xf32>
        %swap3A_234 = arith.constant 7 : i32
        %swap3A_235 = arith.index_cast %swap3A_234 : i32 to index
        %swap3A_236 = arith.index_cast %mul3A_224 : i32 to index
        %swap3A_237 = tpu.vector_load %arg13[%swap3A_235, %swap3A_236] {strides = array<i32>} : memref<8x2048xf32, #tpu.memory_space<vmem>>, vector<16xf32>,
        tpu.vector_store %arg13[%swap3A_235, %swap3A_236], %add3A_233 {strides = array<i32>} : memref<8x2048xf32, #tpu.memory_space<vmem>>, vector<16xf32>,
      }
      %scan3A_77 = arith.constant 128 : i32
      %mul3A_78 = arith.constant 8 : i32
      %mul3A_79 = arith.muli %mul3A_43, %mul3A_78 : i32
      %add3A_80 = arith.addi %mul3A_2, %mul3A_79 : i32
      %dma_start3A_81 = arith.constant 0 : i32
      %dma_start3A_82 = tpu.memref_slice %arg5[%add3A_80, %dma_start3A_81] : memref<16384x2048xf32, #tpu.memory_space<hbm>> -> memref<8x2048xf32, #tpu.memory_space<hbm>>
      %dma_start3A_83 = arith.constant 0 : i32
      %dma_start3A_84 = tpu.memref_slice %arg5[%add3A_80, %dma_start3A_83] : memref<16384x2048xf32, #tpu.memory_space<hbm>> -> memref<8x2048xf32, #tpu.memory_space<hbm>>
      tpu.enqueue_dma source(%arg13 : memref<8x2048xf32, #tpu.memory_space<vmem>>) target(%dma_start3A_84 : memref<8x2048xf32, #tpu.memory_space<hbm>>) target_semaphore(%arg19 : memref<!tpu.dma_semaphore, #tpu.memory_space<semaphore_mem>>)
      %lt3A = arith.constant 31 : i32
      %lt3A_85 = arith.cmpi slt, %scan3A_41, %lt3A : i32
      %convert_element_type3A_86 = arith.extui %lt3A_85 : i1 to i32
      %cond3A_87 = arith.constant 0 : i32
      %cond3A_88 = arith.cmpi ne, %convert_element_type3A_86, %cond3A_87 : i32
      scf.if %cond3A_88 {
        %add3A_119 = arith.constant 2 : i32
        %add3A_120 = arith.addi %mul3A_43, %add3A_119 : i32
        %mul3A_121 = arith.constant 8 : i32
        %mul3A_122 = arith.muli %add3A_120, %mul3A_121 : i32
        %dma_start3A_123 = tpu.memref_slice %arg7[%mul3A_122] : memref<512xi32, #tpu.memory_space<vmem>> -> memref<8xi32, #tpu.memory_space<vmem>>
        %dma_start3A_124 = arith.constant 0 : i32
        %dma_start3A_125 = arith.constant 0 : i32
        %dma_start3A_126 = tpu.memref_slice %arg3[%dma_start3A_124, %dma_start3A_125] : memref<512x2048xf32, #tpu.memory_space<hbm>> -> memref<512x2048xf32, #tpu.memory_space<hbm>>
        tpu.enqueue_indirect_dma source(%dma_start3A_126 : memref<512x2048xf32, #tpu.memory_space<hbm>>) target(%arg9 : memref<8x2048xf32, #tpu.memory_space<vmem>>) offsets(%dma_start3A_123 : memref<8xi32, #tpu.memory_space<vmem>>) semaphore(%arg15 : memref<!tpu.dma_semaphore, #tpu.memory_space<semaphore_mem>>)
        %mul3A_127 = arith.constant 8 : i32
        %mul3A_128 = arith.muli %add3A_120, %mul3A_127 : i32
        %dma_start3A_129 = tpu.memref_slice %arg8[%mul3A_128] : memref<512xi32, #tpu.memory_space<vmem>> -> memref<8xi32, #tpu.memory_space<vmem>>
        %dma_start3A_130 = arith.constant 0 : i32
        %dma_start3A_131 = arith.constant 0 : i32
        %dma_start3A_132 = tpu.memref_slice %arg4[%dma_start3A_130, %dma_start3A_131] : memref<512x2048xf32, #tpu.memory_space<hbm>> -> memref<512x2048xf32, #tpu.memory_space<hbm>>
        tpu.enqueue_indirect_dma source(%dma_start3A_132 : memref<512x2048xf32, #tpu.memory_space<hbm>>) target(%arg10 : memref<8x2048xf32, #tpu.memory_space<vmem>>) offsets(%dma_start3A_129 : memref<8xi32, #tpu.memory_space<vmem>>) semaphore(%arg16 : memref<!tpu.dma_semaphore, #tpu.memory_space<semaphore_mem>>)
      } else {
      }
      %mul3A_89 = arith.constant 8 : i32
      %mul3A_90 = arith.muli %add3A_45, %mul3A_89 : i32
      %dma_wait3A_91 = tpu.memref_slice %arg7[%mul3A_90] : memref<512xi32, #tpu.memory_space<vmem>> -> memref<8xi32, #tpu.memory_space<vmem>>
      %dma_wait3A_92 = arith.constant 0 : i32
      %dma_wait3A_93 = arith.constant 0 : i32
      %dma_wait3A_94 = tpu.memref_slice %arg3[%dma_wait3A_92, %dma_wait3A_93] : memref<512x2048xf32, #tpu.memory_space<hbm>> -> memref<512x2048xf32, #tpu.memory_space<hbm>>
      tpu.wait_indirect_dma semaphore(%arg17 : memref<!tpu.dma_semaphore, #tpu.memory_space<semaphore_mem>>) src(%dma_wait3A_94 : memref<512x2048xf32, #tpu.memory_space<hbm>>) dst(%arg11 : memref<8x2048xf32, #tpu.memory_space<vmem>>)
      %mul3A_95 = arith.constant 8 : i32
      %mul3A_96 = arith.muli %add3A_45, %mul3A_95 : i32
      %dma_wait3A_97 = tpu.memref_slice %arg8[%mul3A_96] : memref<512xi32, #tpu.memory_space<vmem>> -> memref<8xi32, #tpu.memory_space<vmem>>
      %dma_wait3A_98 = arith.constant 0 : i32
      %dma_wait3A_99 = arith.constant 0 : i32
      %dma_wait3A_100 = tpu.memref_slice %arg4[%dma_wait3A_98, %dma_wait3A_99] : memref<512x2048xf32, #tpu.memory_space<hbm>> -> memref<512x2048xf32, #tpu.memory_space<hbm>>
      tpu.wait_indirect_dma semaphore(%arg18 : memref<!tpu.dma_semaphore, #tpu.memory_space<semaphore_mem>>) src(%dma_wait3A_100 : memref<512x2048xf32, #tpu.memory_space<hbm>>) dst(%arg12 : memref<8x2048xf32, #tpu.memory_space<vmem>>)
      %gt3A_101 = arith.constant 0 : i32
      %gt3A_102 = arith.cmpi sgt, %scan3A_41, %gt3A_101 : i32
      %convert_element_type3A_103 = arith.extui %gt3A_102 : i1 to i32
      %cond3A_104 = arith.constant 0 : i32
      %cond3A_105 = arith.cmpi ne, %convert_element_type3A_103, %cond3A_104 : i32
      scf.if %cond3A_105 {
        %dma_wait3A_119 = arith.constant 0 : i32
        %dma_wait3A_120 = tpu.memref_slice %arg5[%mul3A_2, %dma_wait3A_119] : memref<16384x2048xf32, #tpu.memory_space<hbm>> -> memref<8x2048xf32, #tpu.memory_space<hbm>>
        %dma_wait3A_121 = arith.constant 0 : i32
        %dma_wait3A_122 = tpu.memref_slice %arg5[%mul3A_2, %dma_wait3A_121] : memref<16384x2048xf32, #tpu.memory_space<hbm>> -> memref<8x2048xf32, #tpu.memory_space<hbm>>
        tpu.wait_dma2 semaphore(%arg20 : memref<!tpu.dma_semaphore, #tpu.memory_space<semaphore_mem>>) src(%arg14 : memref<8x2048xf32, #tpu.memory_space<vmem>>) dst(%dma_wait3A_122 : memref<8x2048xf32, #tpu.memory_space<hbm>>)
      } else {
      }
      %scan3A_106 = arith.constant 0 : i32
      %scan3A_107 = arith.constant 0 : i32
      %scan3A_108 = arith.constant 128 : i32
      %scan3A_109 = arith.addi %scan3A_107, %scan3A_108 : i32
      %scan3A_110 = arith.constant 1 : i32
      scf.for %scan3A_119 = %scan3A_107 to %scan3A_109 step %scan3A_110  : i32 {
        %mul3A_120 = arith.constant 16 : i32
        %mul3A_121 = arith.muli %scan3A_119, %mul3A_120 : i32
        %get3A = arith.constant 0 : i32
        %get3A_122 = arith.index_cast %get3A : i32 to index
        %get3A_123 = arith.index_cast %mul3A_121 : i32 to index
        %get3A_124 = tpu.vector_load %arg11[%get3A_122, %get3A_123] {strides = array<i32>} : memref<8x2048xf32, #tpu.memory_space<vmem>>, vector<16xf32>,
        %get3A_125 = arith.constant 0 : i32
        %get3A_126 = arith.index_cast %get3A_125 : i32 to index
        %get3A_127 = arith.index_cast %mul3A_121 : i32 to index
        %get3A_128 = tpu.vector_load %arg12[%get3A_126, %get3A_127] {strides = array<i32>} : memref<8x2048xf32, #tpu.memory_space<vmem>>, vector<16xf32>,
        %add3A_129 = arith.addf %get3A_124, %get3A_128 : vector<16xf32>
        %swap3A = arith.constant 0 : i32
        %swap3A_130 = arith.index_cast %swap3A : i32 to index
        %swap3A_131 = arith.index_cast %mul3A_121 : i32 to index
        %swap3A_132 = tpu.vector_load %arg14[%swap3A_130, %swap3A_131] {strides = array<i32>} : memref<8x2048xf32, #tpu.memory_space<vmem>>, vector<16xf32>,
        tpu.vector_store %arg14[%swap3A_130, %swap3A_131], %add3A_129 {strides = array<i32>} : memref<8x2048xf32, #tpu.memory_space<vmem>>, vector<16xf32>,
        %mul3A_133 = arith.constant 16 : i32
        %mul3A_134 = arith.muli %scan3A_119, %mul3A_133 : i32
        %get3A_135 = arith.constant 1 : i32
        %get3A_136 = arith.index_cast %get3A_135 : i32 to index
        %get3A_137 = arith.index_cast %mul3A_134 : i32 to index
        %get3A_138 = tpu.vector_load %arg11[%get3A_136, %get3A_137] {strides = array<i32>} : memref<8x2048xf32, #tpu.memory_space<vmem>>, vector<16xf32>,
        %get3A_139 = arith.constant 1 : i32
        %get3A_140 = arith.index_cast %get3A_139 : i32 to index
        %get3A_141 = arith.index_cast %mul3A_134 : i32 to index
        %get3A_142 = tpu.vector_load %arg12[%get3A_140, %get3A_141] {strides = array<i32>} : memref<8x2048xf32, #tpu.memory_space<vmem>>, vector<16xf32>,
        %add3A_143 = arith.addf %get3A_138, %get3A_142 : vector<16xf32>
        %swap3A_144 = arith.constant 1 : i32
        %swap3A_145 = arith.index_cast %swap3A_144 : i32 to index
        %swap3A_146 = arith.index_cast %mul3A_134 : i32 to index
        %swap3A_147 = tpu.vector_load %arg14[%swap3A_145, %swap3A_146] {strides = array<i32>} : memref<8x2048xf32, #tpu.memory_space<vmem>>, vector<16xf32>,
        tpu.vector_store %arg14[%swap3A_145, %swap3A_146], %add3A_143 {strides = array<i32>} : memref<8x2048xf32, #tpu.memory_space<vmem>>, vector<16xf32>,
        %mul3A_148 = arith.constant 16 : i32
        %mul3A_149 = arith.muli %scan3A_119, %mul3A_148 : i32
        %get3A_150 = arith.constant 2 : i32
        %get3A_151 = arith.index_cast %get3A_150 : i32 to index
        %get3A_152 = arith.index_cast %mul3A_149 : i32 to index
        %get3A_153 = tpu.vector_load %arg11[%get3A_151, %get3A_152] {strides = array<i32>} : memref<8x2048xf32, #tpu.memory_space<vmem>>, vector<16xf32>,
        %get3A_154 = arith.constant 2 : i32
        %get3A_155 = arith.index_cast %get3A_154 : i32 to index
        %get3A_156 = arith.index_cast %mul3A_149 : i32 to index
        %get3A_157 = tpu.vector_load %arg12[%get3A_155, %get3A_156] {strides = array<i32>} : memref<8x2048xf32, #tpu.memory_space<vmem>>, vector<16xf32>,
        %add3A_158 = arith.addf %get3A_153, %get3A_157 : vector<16xf32>
        %swap3A_159 = arith.constant 2 : i32
        %swap3A_160 = arith.index_cast %swap3A_159 : i32 to index
        %swap3A_161 = arith.index_cast %mul3A_149 : i32 to index
        %swap3A_162 = tpu.vector_load %arg14[%swap3A_160, %swap3A_161] {strides = array<i32>} : memref<8x2048xf32, #tpu.memory_space<vmem>>, vector<16xf32>,
        tpu.vector_store %arg14[%swap3A_160, %swap3A_161], %add3A_158 {strides = array<i32>} : memref<8x2048xf32, #tpu.memory_space<vmem>>, vector<16xf32>,
        %mul3A_163 = arith.constant 16 : i32
        %mul3A_164 = arith.muli %scan3A_119, %mul3A_163 : i32
        %get3A_165 = arith.constant 3 : i32
        %get3A_166 = arith.index_cast %get3A_165 : i32 to index
        %get3A_167 = arith.index_cast %mul3A_164 : i32 to index
        %get3A_168 = tpu.vector_load %arg11[%get3A_166, %get3A_167] {strides = array<i32>} : memref<8x2048xf32, #tpu.memory_space<vmem>>, vector<16xf32>,
        %get3A_169 = arith.constant 3 : i32
        %get3A_170 = arith.index_cast %get3A_169 : i32 to index
        %get3A_171 = arith.index_cast %mul3A_164 : i32 to index
        %get3A_172 = tpu.vector_load %arg12[%get3A_170, %get3A_171] {strides = array<i32>} : memref<8x2048xf32, #tpu.memory_space<vmem>>, vector<16xf32>,
        %add3A_173 = arith.addf %get3A_168, %get3A_172 : vector<16xf32>
        %swap3A_174 = arith.constant 3 : i32
        %swap3A_175 = arith.index_cast %swap3A_174 : i32 to index
        %swap3A_176 = arith.index_cast %mul3A_164 : i32 to index
        %swap3A_177 = tpu.vector_load %arg14[%swap3A_175, %swap3A_176] {strides = array<i32>} : memref<8x2048xf32, #tpu.memory_space<vmem>>, vector<16xf32>,
        tpu.vector_store %arg14[%swap3A_175, %swap3A_176], %add3A_173 {strides = array<i32>} : memref<8x2048xf32, #tpu.memory_space<vmem>>, vector<16xf32>,
        %mul3A_178 = arith.constant 16 : i32
        %mul3A_179 = arith.muli %scan3A_119, %mul3A_178 : i32
        %get3A_180 = arith.constant 4 : i32
        %get3A_181 = arith.index_cast %get3A_180 : i32 to index
        %get3A_182 = arith.index_cast %mul3A_179 : i32 to index
        %get3A_183 = tpu.vector_load %arg11[%get3A_181, %get3A_182] {strides = array<i32>} : memref<8x2048xf32, #tpu.memory_space<vmem>>, vector<16xf32>,
        %get3A_184 = arith.constant 4 : i32
        %get3A_185 = arith.index_cast %get3A_184 : i32 to index
        %get3A_186 = arith.index_cast %mul3A_179 : i32 to index
        %get3A_187 = tpu.vector_load %arg12[%get3A_185, %get3A_186] {strides = array<i32>} : memref<8x2048xf32, #tpu.memory_space<vmem>>, vector<16xf32>,
        %add3A_188 = arith.addf %get3A_183, %get3A_187 : vector<16xf32>
        %swap3A_189 = arith.constant 4 : i32
        %swap3A_190 = arith.index_cast %swap3A_189 : i32 to index
        %swap3A_191 = arith.index_cast %mul3A_179 : i32 to index
        %swap3A_192 = tpu.vector_load %arg14[%swap3A_190, %swap3A_191] {strides = array<i32>} : memref<8x2048xf32, #tpu.memory_space<vmem>>, vector<16xf32>,
        tpu.vector_store %arg14[%swap3A_190, %swap3A_191], %add3A_188 {strides = array<i32>} : memref<8x2048xf32, #tpu.memory_space<vmem>>, vector<16xf32>,
        %mul3A_193 = arith.constant 16 : i32
        %mul3A_194 = arith.muli %scan3A_119, %mul3A_193 : i32
        %get3A_195 = arith.constant 5 : i32
        %get3A_196 = arith.index_cast %get3A_195 : i32 to index
        %get3A_197 = arith.index_cast %mul3A_194 : i32 to index
        %get3A_198 = tpu.vector_load %arg11[%get3A_196, %get3A_197] {strides = array<i32>} : memref<8x2048xf32, #tpu.memory_space<vmem>>, vector<16xf32>,
        %get3A_199 = arith.constant 5 : i32
        %get3A_200 = arith.index_cast %get3A_199 : i32 to index
        %get3A_201 = arith.index_cast %mul3A_194 : i32 to index
        %get3A_202 = tpu.vector_load %arg12[%get3A_200, %get3A_201] {strides = array<i32>} : memref<8x2048xf32, #tpu.memory_space<vmem>>, vector<16xf32>,
        %add3A_203 = arith.addf %get3A_198, %get3A_202 : vector<16xf32>
        %swap3A_204 = arith.constant 5 : i32
        %swap3A_205 = arith.index_cast %swap3A_204 : i32 to index
        %swap3A_206 = arith.index_cast %mul3A_194 : i32 to index
        %swap3A_207 = tpu.vector_load %arg14[%swap3A_205, %swap3A_206] {strides = array<i32>} : memref<8x2048xf32, #tpu.memory_space<vmem>>, vector<16xf32>,
        tpu.vector_store %arg14[%swap3A_205, %swap3A_206], %add3A_203 {strides = array<i32>} : memref<8x2048xf32, #tpu.memory_space<vmem>>, vector<16xf32>,
        %mul3A_208 = arith.constant 16 : i32
        %mul3A_209 = arith.muli %scan3A_119, %mul3A_208 : i32
        %get3A_210 = arith.constant 6 : i32
        %get3A_211 = arith.index_cast %get3A_210 : i32 to index
        %get3A_212 = arith.index_cast %mul3A_209 : i32 to index
        %get3A_213 = tpu.vector_load %arg11[%get3A_211, %get3A_212] {strides = array<i32>} : memref<8x2048xf32, #tpu.memory_space<vmem>>, vector<16xf32>,
        %get3A_214 = arith.constant 6 : i32
        %get3A_215 = arith.index_cast %get3A_214 : i32 to index
        %get3A_216 = arith.index_cast %mul3A_209 : i32 to index
        %get3A_217 = tpu.vector_load %arg12[%get3A_215, %get3A_216] {strides = array<i32>} : memref<8x2048xf32, #tpu.memory_space<vmem>>, vector<16xf32>,
        %add3A_218 = arith.addf %get3A_213, %get3A_217 : vector<16xf32>
        %swap3A_219 = arith.constant 6 : i32
        %swap3A_220 = arith.index_cast %swap3A_219 : i32 to index
        %swap3A_221 = arith.index_cast %mul3A_209 : i32 to index
        %swap3A_222 = tpu.vector_load %arg14[%swap3A_220, %swap3A_221] {strides = array<i32>} : memref<8x2048xf32, #tpu.memory_space<vmem>>, vector<16xf32>,
        tpu.vector_store %arg14[%swap3A_220, %swap3A_221], %add3A_218 {strides = array<i32>} : memref<8x2048xf32, #tpu.memory_space<vmem>>, vector<16xf32>,
        %mul3A_223 = arith.constant 16 : i32
        %mul3A_224 = arith.muli %scan3A_119, %mul3A_223 : i32
        %get3A_225 = arith.constant 7 : i32
        %get3A_226 = arith.index_cast %get3A_225 : i32 to index
        %get3A_227 = arith.index_cast %mul3A_224 : i32 to index
        %get3A_228 = tpu.vector_load %arg11[%get3A_226, %get3A_227] {strides = array<i32>} : memref<8x2048xf32, #tpu.memory_space<vmem>>, vector<16xf32>,
        %get3A_229 = arith.constant 7 : i32
        %get3A_230 = arith.index_cast %get3A_229 : i32 to index
        %get3A_231 = arith.index_cast %mul3A_224 : i32 to index
        %get3A_232 = tpu.vector_load %arg12[%get3A_230, %get3A_231] {strides = array<i32>} : memref<8x2048xf32, #tpu.memory_space<vmem>>, vector<16xf32>,
        %add3A_233 = arith.addf %get3A_228, %get3A_232 : vector<16xf32>
        %swap3A_234 = arith.constant 7 : i32
        %swap3A_235 = arith.index_cast %swap3A_234 : i32 to index
        %swap3A_236 = arith.index_cast %mul3A_224 : i32 to index
        %swap3A_237 = tpu.vector_load %arg14[%swap3A_235, %swap3A_236] {strides = array<i32>} : memref<8x2048xf32, #tpu.memory_space<vmem>>, vector<16xf32>,
        tpu.vector_store %arg14[%swap3A_235, %swap3A_236], %add3A_233 {strides = array<i32>} : memref<8x2048xf32, #tpu.memory_space<vmem>>, vector<16xf32>,
      }
      %scan3A_111 = arith.constant 128 : i32
      %mul3A_112 = arith.constant 8 : i32
      %mul3A_113 = arith.muli %add3A_45, %mul3A_112 : i32
      %add3A_114 = arith.addi %mul3A_2, %mul3A_113 : i32
      %dma_start3A_115 = arith.constant 0 : i32
      %dma_start3A_116 = tpu.memref_slice %arg5[%add3A_114, %dma_start3A_115] : memref<16384x2048xf32, #tpu.memory_space<hbm>> -> memref<8x2048xf32, #tpu.memory_space<hbm>>
      %dma_start3A_117 = arith.constant 0 : i32
      %dma_start3A_118 = tpu.memref_slice %arg5[%add3A_114, %dma_start3A_117] : memref<16384x2048xf32, #tpu.memory_space<hbm>> -> memref<8x2048xf32, #tpu.memory_space<hbm>>
      tpu.enqueue_dma source(%arg14 : memref<8x2048xf32, #tpu.memory_space<vmem>>) target(%dma_start3A_118 : memref<8x2048xf32, #tpu.memory_space<hbm>>) target_semaphore(%arg20 : memref<!tpu.dma_semaphore, #tpu.memory_space<semaphore_mem>>)
    }
    %scan3A_33 = arith.constant 32 : i32
    %dma_wait3A = arith.constant 0 : i32
    %dma_wait3A_34 = tpu.memref_slice %arg5[%mul3A_2, %dma_wait3A] : memref<16384x2048xf32, #tpu.memory_space<hbm>> -> memref<8x2048xf32, #tpu.memory_space<hbm>>
    %dma_wait3A_35 = arith.constant 0 : i32
    %dma_wait3A_36 = tpu.memref_slice %arg5[%mul3A_2, %dma_wait3A_35] : memref<16384x2048xf32, #tpu.memory_space<hbm>> -> memref<8x2048xf32, #tpu.memory_space<hbm>>
    tpu.wait_dma2 semaphore(%arg19 : memref<!tpu.dma_semaphore, #tpu.memory_space<semaphore_mem>>) src(%arg13 : memref<8x2048xf32, #tpu.memory_space<vmem>>) dst(%dma_wait3A_36 : memref<8x2048xf32, #tpu.memory_space<hbm>>)
    %dma_wait3A_37 = arith.constant 0 : i32
    %dma_wait3A_38 = tpu.memref_slice %arg5[%mul3A_2, %dma_wait3A_37] : memref<16384x2048xf32, #tpu.memory_space<hbm>> -> memref<8x2048xf32, #tpu.memory_space<hbm>>
    %dma_wait3A_39 = arith.constant 0 : i32
    %dma_wait3A_40 = tpu.memref_slice %arg5[%mul3A_2, %dma_wait3A_39] : memref<16384x2048xf32, #tpu.memory_space<hbm>> -> memref<8x2048xf32, #tpu.memory_space<hbm>>
    tpu.wait_dma2 semaphore(%arg20 : memref<!tpu.dma_semaphore, #tpu.memory_space<semaphore_mem>>) src(%arg14 : memref<8x2048xf32, #tpu.memory_space<vmem>>) dst(%dma_wait3A_40 : memref<8x2048xf32, #tpu.memory_space<hbm>>)
    return
  }
}

</mosaic_0001>

<sc_bundles>
// kernel: _launch.3.cloned.1.call-start
scs
__scs_entry_jumppad:
0x0: {  	(pc) =	sbr.rel $0x88, $3  }
0x1: {  	(tag) =	ssettag $0x0;
	lr =	simm.s32 $0x1  }
0x2: {  	[smem:$0x3F9E] =	sst lr;
	_ =	strace $0xD0000000  }
0x3: {  	_ = 	snop  }
0x4: {  	_ = 	snop  }
0x5: {  	_ = 	snop  }
0x6: {  	_ = 	snop  }
0x7: {  	_ = 	snop  }
__scs_overlays_trampoline_lowered:
0x8: {  	[smem:$0x3FAD] =	sst s0  }
0x9: {  	[smem:$0x3FAE] =	sst s1  }
0xa: {  	[smem:$0x3FAF] =	sst s2  }
0xb: {  	[smem:$0x3FB0] =	sst s3  }
0xc: {  	[smem:$0x3FB1] =	sst s4  }
0xd: {  	[smem:$0x3FB2] =	sst s5  }
0xe: {  	[smem:$0x3FB3] =	sst s6  }
0xf: {  	[smem:$0x3FB4] =	sst s7  }
0x10: {  	[smem:$0x3FB5] =	sst s8  }
0x11: {  	[smem:$0x3FB6] =	sst s9;
	s0 =	simm.s32 @!p0 $0x0  }
0x12: {  	s1 =	sld [smem:$0x3F9C];
	s0 =	simm.s32 @p0 $0x1  }
0x13: {  	[smem:$0x3FB7] =	sst s0;
	s0 =	simm.s32 @!p1 $0x0  }
0x14: {  	s2 =	sld [smem:$0x3F9B];
	s0 =	simm.s32 @p1 $0x1  }
0x15: {  	[smem:$0x3FB8] =	sst s0;
	s0 =	simm.s32 @!p2 $0x0  }
0x16: {  	s3 =	sld [smem:$0x3FDB];
	s0 =	simm.s32 @p2 $0x1  }
0x17: {  	s4 =	simm.s32 $0x1BF5;
	[smem:$0x3FBA] =	sst s0  }
0x18: {  	s0 =	sld [smem:$0x3F9D];
	_ =	swait.ge [sflag:s4], $0x0  }
0x19: {  	s7 =	sld [smem:$0x3F9E]  }
0x1a: {  	s8 =	sadd.s32 $0xFFFFE003, lr  }
0x1b: {  	s9 =	sadd.s32 $0xFFFFFEF7, lr;
	s5 =	simm.s32 $0xFFFFFFFF;
	p2 =	slt.u32 s8, $0xFFFFF086  }
0x1c: {  	p1 =	slt.u32 s9, $0xF7A;
	s5 =	simm.s32 @!p2 $0x0  }
0x1d: {  	s5 =	simm.s32 @p1 $0x1;
	p0 =	seq.s32 s7, s2  }
0x1e: {  	s7 =	smul.u32 @!p0 $0xF7A, s2;
	p2 =	seq.s32 @!p0 s5, $0x0  }
0x1f: {  	s9 =	smul.u32 $0xF7A, s1;
	s8 =	simm.s32 @!p0 $0x1BF5;
	p2 =	por !p2, p0  }
0x20: {  	[sflag:s8] =	ssyncset.s32 @!p0 $0xFFFFF086;
	s6 =	sadd.s32 @!p0 s3, s7;
	s7 =	simm.s32 @!p0 $0x108  }
0x21: {  	s3 =	sadd.s32 s3, s9;
	s6 =	sadd.s32 @!p0 $0x88, s6;
	s7 =	simm.s32 @p2 $0x1082  }
0x22: {  	[simem:s7], [sflag:s8] =	dma.local @!p0 [hbm:s6], $0xF7A  }
0x23: {  	s9 =	sor.u32 $0xD0000000, s2;
	s6 =	simm.s32 $0x108;
	_ =	swait.ge @!p0 [sflag:s8], $0x0  }
0x24: {  	s3 =	sadd.s32 $0x88, s3;
	s6 =	simm.s32 @!p1 $0x1082;
	[sflag:s4] =	ssyncset.s32 $0xFFFFF086  }
0x25: {  	[simem:s6], [sflag:s4] =	dma.local [hbm:s3], $0xF7A  }
0x26: {  	[smem:$0x3F9E] =	sst s1;
	(tag) =	ssettag s2;
	_ =	strace s9  }
0x27: {  	s1 =	sld [smem:$0x3FAE]  }
0x28: {  	s2 =	sld [smem:$0x3FAF]  }
0x29: {  	s4 =	sld [smem:$0x3FB1]  }
0x2a: {  	p0 =	seq.s32 s5, $0x0;
	s5 =	sld [smem:$0x3FB2]  }
0x2b: {  	s6 =	sld [smem:$0x3FB3]  }
0x2c: {  	s7 =	sld [smem:$0x3FB4]  }
0x2d: {  	s3 =	simm.s32 $0x108;
	s8 =	sld [smem:$0x3FB5]  }
0x2e: {  	s3 =	simm.s32 @!p0 $0x1082;
	s9 =	sld [smem:$0x3FB6]  }
0x2f: {  	lr =	sadd.s32 s0, s3;
	s0 =	sld [smem:$0x3FAD]  }
0x30: {  	s3 =	sld [smem:$0x3FB0]  }
0x31: {  	[smem:$0x3FB9] =	sst s10  }
0x32: {  	s10 =	sld [smem:$0x3FB7];
	_ =	sdelay $0x3  }
0x33: {  	p0 =	seq.s32 s10, $0x1;
	s10 =	sld [smem:$0x3FB9];
	_ =	sdelay $0x3  }
0x34: {  	[smem:$0x3FB9] =	sst s10  }
0x35: {  	s10 =	sld [smem:$0x3FB8];
	_ =	sdelay $0x3  }
0x36: {  	p1 =	seq.s32 s10, $0x1;
	s10 =	sld [smem:$0x3FB9];
	_ =	sdelay $0x3  }
0x37: {  	[smem:$0x3FB9] =	sst s10  }
0x38: {  	s10 =	sld [smem:$0x3FBA]  }
0x39: {  	_ = 	snop;
	(pc) =	sbr.ind lr, $3  }
0x3a: {  	_ = 	snop  }
0x3b: {  	_ = 	snop  }
0x3c: {  	p2 =	seq.s32 s10, $0x1;
	s10 =	sld [smem:$0x3FB9]  }
0x3d: {  	_ =	shalt  }
0x3e: {  	_ =	shalt  }
0x3f: {  	_ =	shalt  }
0x40: {  	_ =	shalt  }
0x41: {  	_ =	shalt  }
0x42: {  	_ =	shalt  }
0x43: {  	_ =	shalt  }
0x44: {  	_ =	shalt  }
0x45: {  	_ =	shalt  }
0x46: {  	_ =	shalt  }
0x47: {  	_ =	shalt  }
0x48: {  	_ =	shalt  }
0x49: {  	_ =	shalt  }
0x4a: {  	_ =	shalt  }
0x4b: {  	_ =	shalt  }
0x4c: {  	_ =	shalt  }
0x4d: {  	_ =	shalt  }
0x4e: {  	_ =	shalt  }
0x4f: {  	_ =	shalt  }
0x50: {  	_ =	shalt  }
0x51: {  	_ =	shalt  }
0x52: {  	_ =	shalt  }
0x53: {  	_ =	shalt  }
0x54: {  	_ =	shalt  }
0x55: {  	_ =	shalt  }
0x56: {  	_ =	shalt  }
0x57: {  	_ =	shalt  }
0x58: {  	_ =	shalt  }
0x59: {  	_ =	shalt  }
0x5a: {  	_ =	shalt  }
0x5b: {  	_ =	shalt  }
0x5c: {  	_ =	shalt  }
0x5d: {  	_ =	shalt  }
0x5e: {  	_ =	shalt  }
0x5f: {  	_ =	shalt  }
0x60: {  	_ =	shalt  }
0x61: {  	_ =	shalt  }
0x62: {  	_ =	shalt  }
0x63: {  	_ =	shalt  }
0x64: {  	_ =	shalt  }
0x65: {  	_ =	shalt  }
0x66: {  	_ =	shalt  }
0x67: {  	_ =	shalt  }
0x68: {  	_ =	shalt  }
0x69: {  	_ =	shalt  }
0x6a: {  	_ =	shalt  }
0x6b: {  	_ =	shalt  }
0x6c: {  	_ =	shalt  }
0x6d: {  	_ =	shalt  }
0x6e: {  	_ =	shalt  }
0x6f: {  	_ =	shalt  }
0x70: {  	_ =	shalt  }
0x71: {  	_ =	shalt  }
0x72: {  	_ =	shalt  }
0x73: {  	_ =	shalt  }
0x74: {  	_ =	shalt  }
0x75: {  	_ =	shalt  }
0x76: {  	_ =	shalt  }
0x77: {  	_ =	shalt  }
0x78: {  	_ =	shalt  }
0x79: {  	_ =	shalt  }
0x7a: {  	_ =	shalt  }
0x7b: {  	_ =	shalt  }
0x7c: {  	_ =	shalt  }
0x7d: {  	_ =	shalt  }
0x7e: {  	_ =	shalt  }
0x7f: {  	_ =	shalt  }
0x80: {  	_ =	shalt  }
0x81: {  	_ =	shalt  }
0x82: {  	_ =	shalt  }
0x83: {  	_ =	shalt  }
0x84: {  	_ =	shalt  }
0x85: {  	_ =	shalt  }
0x86: {  	_ =	shalt  }
0x87: {  	_ =	shalt  }
.Lfunc_end0:
.L_simem_size_0:
called_computation_lowered:
.L_overlay_start_0:
0x88: {  	s2 =	sld [smem:$0x3FD9]  }
0x89: {  	s3 =	sld [smem:$0x3FFE];
	_ =	sdelay $0x1  }
0x8a: {  	s1 =	srdreg.scid  }
0x8b: {  	s0 =	sand.u32 $0x1, s1  }
0x8c: {  	s18 =	sshll.u32 s0, $0xA;
	s2 =	sadd.s32 s3, s2  }
0x8d: {  	s2 =	sadd.s32 s2, s18  }
0x8e: {  	[smem:$0x3FC5] =	sst s2  }
0x8f: {  	_ = 	snop  }
0x90: {  	s2 =	sld [smem:$0x3FC9]  }
0x91: {  	s19 =	sld [smem:$0x3FC8]  }
0x92: {  	s4 =	sld [smem:$0x3FC7]  }
0x93: {  	s5 =	sld [smem:$0x3FD0];
	(tm) =	ssettm $0x1  }
0x94: {  	s6 =	sld [smem:$0x3FFB];
	_ =	sdelay $0x3  }
0x95: {  	_ =	strace s6  }
0x96: {  	s6 =	sld [smem:$0x3FFC];
	_ =	sdelay $0x3  }
0x97: {  	_ =	strace s6  }
0x98: {  	s6 =	sld [smem:$0x3FFD];
	_ =	sdelay $0x3  }
0x99: {  	_ =	strace s6  }
0x9a: {  	_ =	strace $0x8FFFFFFF  }
0x9b: {  	s20 =	sld [smem:$0x3FDB];
	_ =	sdelay $0x1  }
0x9c: {  	s7 =	simm.s32 $_scs_section_size  }
0x9d: {  	s8 =	simm.s32 $_size__tile_overlayer_lowered;
	s9 =	simm.s32 $_tile_overlayer_lowered  }
0x9e: {  	s23 =	simm.s32 $0x1BFF;
	s22 =	sshll.u32 s9, $0x1;
	s6 =	sadd.s32 s7, s20  }
0x9f: {  	s10 =	simm.s32 $0x0;
	s21 =	sshll.u32 s8, $0x1;
	s8 =	sadd.s32 s22, s6  }
0xa0: {  	[timem:s10], [sflag:s23] =	dma.local [hbm:s8], s21  }
0xa1: {  	_ =	swait.ge [sflag:s23], s21  }
0xa2: {  	s7 =	ssub.s32 $0x0, s21;
	[sflag:s23] =	ssyncset.done $0x0  }
0xa3: {  	[sflag:s23] =	ssyncadd.s32 s7;
	_ =	sdelay $0x1  }
0xa4: {  	s24 =	simm.s32 $0x1B8B  }
0xa5: {  	_ =	swait.ge [sflag:s24], $0x1  }
0xa6: {  	[sflag:s24] =	ssyncset.done $0x0  }
0xa7: {  	s25 =	simm.s32 $0x1B8E;
	[sflag:s24] =	ssyncadd.s32 $0xFFFFFFFF  }
0xa8: {  	s26 =	simm.s32 $execute0_lowered;
	[smem:$0x3FD2] =	sst s25  }
0xa9: {  	s7 =	sshll.u32 s26, $0x1;
	_ =	strace $0x80000046;
	[dreg:$0x1] =	wrdreg $0xFFFFFFFF  }
0xaa: {  	s28 =	simm.s32 $_size_execute0_lowered;
	s6 =	sadd.s32 s6, s7;
	[dreg:$0x0] =	wrdreg $0x0  }
0xab: {  	s7 =	sshll.u32 s28, $0x1;
	[dreg:$0x2] =	wrdreg s6  }
0xac: {  	[dreg:$0x3] =	wrdreg s7  }
0xad: {  	[dreg:$0x4] =	wrdreg $0xC0  }
0xae: {  	_ =	task [dreg:s10], $0x5FFFF  }
0xaf: {  	[dreg:$0x1] =	wrdreg $0xFFFFFFFF  }
0xb0: {  	[dreg:$0x0] =	wrdreg $0x60  }
0xb1: {  	[dreg:$0x2] =	wrdreg s2  }
0xb2: {  	[dreg:$0x3] =	wrdreg s19  }
0xb3: {  	[dreg:$0x4] =	wrdreg s4  }
0xb4: {  	[dreg:$0x5] =	wrdreg s5  }
0xb5: {  	[dreg:$0x6] =	wrdreg $0x9  }
0xb6: {  	_ =	task.clear_ibuf [dreg:s10], $0x7FFFF;
	_ =	strace $0x90000046  }
0xb7: {  	s29 =	simm.s32 $0x9;
	_ =	strace $0x80000048  }
0xb8: {  	_ =	swait.ge [sflag:s29], $0x1  }
0xb9: {  	[sflag:s29] =	ssyncadd.s32 $0xFFFFFFFF  }
0xba: {  	_ =	strace $0x90000048  }
0xbb: {  	_ =	sfence  }
0xbc: {  	s30 =	sld [smem:$0x0];
	_ =	sdelay $0x2  }
0xbd: {  	s31 =	sshll.u32 s1, $0xD;
	s1 =	sshrl.u32 s1, $0x2  }
0xbe: {  	s3 =	sand.u32 $0x4000, s31;
	s1 =	sadd.s32 s1, s30  }
0xbf: {  	s0 =	sor.u32 s3, s0;
	s1 =	sshll.u32 s1, $0x11  }
0xc0: {  	s0 =	sor.u32 s1, s0  }
0xc1: {  	s0 =	sadd.s32 $0x8F2B, s0  }
0xc2: {  	[sflag:s0] =	ssyncadd.remote.s32 $0x1  }
0xc3: {  	_ =	sfence.sel $0xFFFF  }
0xc4: {  	[dreg:$0x0] =	wrdreg $0xFFFFFFFF;
	(pc) =	sbr.abs _section_cstart, $3  }
0xc5: {  	[dreg:$0x1] =	wrdreg $0xFFFFFFFF  }
0xc6: {  	_ =	task.clear_ibuf [dreg:s10], $0x2FFFF;
	_ =	strace $0x9FFFFFFF  }
0xc7: {  	(tm) =	ssettm $0x7FFFFFFF  }
tec
execute0_lowered:
.L_overlay_start_1:
0x0: {  	(tag) =	ssettag $0x1  }
0x1: {  	s0 =	rddreg [dreg:$0x0]  }
0x2: {  	s30 =	rddreg [dreg:$0x1]  }
0x3: {  	s3 =	rddreg [dreg:$0x2]  }
0x4: {  	s2 =	srdreg.scid;
	s1 =	stileid.u32  }
0x5: {  	s5 =	rddreg [dreg:$0x3];
	s31 =	simm.s32 $0x3;
	s2 =	sand.u32 $0x1, s2  }
0x6: {  	s4 =	sshll.u32 s1, $0x1;
	s9 =	sadd.s32 $0x100, s30;
	s10 =	sadd.s32 $0x200, s30  }
0x7: {  	s11 =	sadd.s32 $0x300, s30;
	s12 =	sadd.s32 $0x400, s30;
	s13 =	sadd.s32 $0x500, s30  }
0x8: {  	s14 =	sadd.s32 $0x600, s30;
	s15 =	sadd.s32 $0x700, s30;
	s16 =	sadd.s32 $0x100, s3  }
0x9: {  	s17 =	sadd.s32 $0x200, s3;
	s18 =	sadd.s32 $0x300, s3;
	s19 =	sadd.s32 $0x400, s3  }
0xa: {  	s20 =	sadd.s32 $0x500, s3;
	s21 =	sadd.s32 $0x600, s3;
	s23 =	sadd.s32 $0x700, s3  }
0xb: {  	s6 =	sor.u32 s2, s4;
	s4 =	simm.s32 $0x0;
	s2 =	ssub.s32 $0x2, s2  }
0xc: {  	s7 =	sshll.u32 s6, $0x6;
	[smem:$0x7FF] =	sst s4;
	s8 =	sshrl.u32 s2, $0x1  }
0xd: {  	s29 =	sshll.u32 s6, $0x7;
	s6 =	sshll.u32 s6, $0x11;
	s24 =	sadd.s32 s0, s7  }
0xe: {  	_ =	strace $0x80000047;
	s26 =	sadd.s32 $0x800, s24;
	[dreg:$0x5] =	wrdreg s24  }
0xf: {  	s25 =	ssub.s32 s2, s8;
	s28 =	sadd.s32 $0x1000, s24;
	[dreg:$0x6] =	wrdreg s26  }
0x10: {  	v1 =	vlaneseq.u32;
	s2 =	sand.u32 $0x180, s29;
	s1 =	sadd.s32 $0x1800, s24;
	[dreg:$0x7] =	wrdreg s28  }
0x11: {  	vm0 =	vmmov $0xffff;
	v2 =	vshrl.u32 v1, $0x3;
	s22 =	sadd.s32 s5, s6;
	s0 =	smax.u32 s25, $0x1;
	[dreg:$0x8] =	wrdreg s1  }
0x12: {  	v1 =	vand.u32 $0x7, v1;
	v2 =	vmul.u32 $0x8, v2;
	s6 =	simm.s32 $0x4;
	v0 =	vmov s2;
	s2 =	simm.s32 $0x0;
	[dreg:$0x9] =	wrdreg s0  }
.LBB2_1:
0x13: {  	[dreg:$0xa] =	wrdreg s2  }
0x14: {  	s0 =	rddreg [dreg:$0x5];
	s1 =	simm.s32 $0x7  }
0x15: {  	[tilespmem:s4], [sflag:$0x7] =	stream.linear.gather [hbm4b:s0+s4], $0x200, $0x38;
	[tilespmem:$0x18C00] =	vst v63  }
0x16: {  	_ =	swait.ge [sflag:s1], $0x200  }
0x17: {  	[sflag:s1] =	ssyncset.done $0x0  }
0x18: {  	s8 =	simm.s32 $0x200;
	s7 =	rddreg [dreg:$0x6];
	[sflag:s1] =	ssyncadd.s32 $0xFFFFFE00  }
0x19: {  	[tilespmem:s8], [sflag:$0x7] =	stream.linear.gather [hbm4b:s7+s4], $0x200, $0x38;
	[tilespmem:$0x18C00] =	vst v63  }
0x1a: {  	_ =	swait.ge [sflag:s1], $0x200  }
0x1b: {  	[sflag:s1] =	ssyncset.done $0x0  }
0x1c: {  	s25 =	simm.s32 $0x400;
	s24 =	rddreg [dreg:$0x7];
	[sflag:s1] =	ssyncadd.s32 $0xFFFFFE00  }
0x1d: {  	[tilespmem:s25], [sflag:$0x7] =	stream.linear.gather [hbm4b:s24+s4], $0x200, $0x38;
	[tilespmem:$0x18C00] =	vst v63  }
0x1e: {  	_ =	swait.ge [sflag:s1], $0x200  }
0x1f: {  	[sflag:s1] =	ssyncset.done $0x0  }
0x20: {  	s28 =	simm.s32 $0x600;
	s26 =	rddreg [dreg:$0x8];
	[sflag:s1] =	ssyncadd.s32 $0xFFFFFE00  }
0x21: {  	[tilespmem:s28], [sflag:$0x7] =	stream.linear.gather [hbm4b:s26+s4], $0x200, $0x38;
	[tilespmem:$0x18C00] =	vst v63  }
0x22: {  	_ =	swait.ge [sflag:s1], $0x200  }
0x23: {  	[sflag:s1] =	ssyncset.done $0x0  }
0x24: {  	[sflag:s1] =	ssyncadd.s32 $0xFFFFFE00  }
0x25: {  	s29 =	sand.u32 $0x1F0, s4;
	v3 =	vld [tilespmem:s4+$0x0]  }
0x26: {  	v4 =	vld [tilespmem:s29+$0x200]  }
0x27: {  	v5 =	vld [tilespmem:s29+$0x400]  }
0x28: {  	v6 =	vld [tilespmem:s29+$0x600];
	_ =	sdelay $0x3  }
0x29: {  	v3 =	vmul.f32 $1.280000000e+02, v3;
	v5 =	vmul.f32 $1.280000000e+02, v5  }
0x2a: {  	v4 =	vmul.f32 $1.280000000e+02, v4;
	v6 =	vmul.f32 $1.280000000e+02, v6  }
0x2b: {  	v3 =	vtrunc.f32 v3;
	v5 =	vtrunc.f32 v5  }
0x2c: {  	v4 =	vtrunc.f32 v4;
	v3 =	vcvt.f32.s32 v3  }
0x2d: {  	v6 =	vtrunc.f32 v6;
	v5 =	vcvt.f32.s32 v5  }
0x2e: {  	v4 =	vcvt.f32.s32 v4;
	v6 =	vcvt.f32.s32 v6;
	vm1 =	vlt.s32 v3, $0x7F  }
0x2f: {  	v3 =	vnsel vm1, $0x7F, v3;
	vm1 =	vlt.s32 v5, $0x7F  }
0x30: {  	vm2 =	vlt.s32 v6, $0x7F;
	v5 =	vnsel vm1, $0x7F, v5;
	vm1 =	vlt.s32 v4, $0x7F  }
0x31: {  	v3 =	vadd.s32 v3, v5;
	v4 =	vnsel vm1, $0x7F, v4;
	v5 =	vnsel vm2, $0x7F, v6  }
0x32: {  	s2 =	simm.s32 $0xA00;
	s5 =	simm.s32 $0x10;
	v6 =	vshrl.u32 v3, $0x1;
	v3 =	vadd.s32 v4, v5  }
0x33: {  	s0 =	simm.s32 $0x800;
	s8 =	simm.s32 $0x0;
	s7 =	simm.s32 $0xA00;
	v3 =	vshrl.u32 v3, $0x1;
	v4 =	vadd.s32 v0, v6  }
.LBB2_2:
0x34: {  	s8 =	sadd.s32 $0x10, s8  }
0x35: {  	[tilespmem:s0+$0x0] =	vst v4;
	v3 =	vadd.s32 v0, v3;
	s0 =	sadd.s32 $0x10, s0;
	s2 =	sadd.s32 $0x10, s2;
	s24 =	smov.u32 s5  }
0x36: {  	p0 =	sne.s32 s5, $0x1F0;
	s5 =	sadd.s32 $0x10, s5;
	[tilespmem:s7+$0x0] =	vst v3;
	s7 =	smov.u32 s2  }
0x37: {  	s24 =	sand.u32 $0x1F0, s24;
	v3 =	vld [tilespmem:s8+$0x0]  }
0x38: {  	v4 =	vld [tilespmem:s24+$0x200]  }
0x39: {  	v5 =	vld [tilespmem:s24+$0x400]  }
0x3a: {  	v6 =	vld [tilespmem:s24+$0x600];
	_ =	sdelay $0x1  }
0x3b: {  	v3 =	vmul.f32 $1.280000000e+02, v3  }
0x3c: {  	v4 =	vmul.f32 $1.280000000e+02, v4  }
0x3d: {  	v3 =	vtrunc.f32 v3;
	v5 =	vmul.f32 $1.280000000e+02, v5  }
0x3e: {  	v3 =	vcvt.f32.s32 v3;
	v6 =	vmul.f32 $1.280000000e+02, v6  }
0x3f: {  	v4 =	vtrunc.f32 v4;
	v5 =	vtrunc.f32 v5  }
0x40: {  	vm1 =	vlt.s32 v3, $0x7F;
	v5 =	vcvt.f32.s32 v5;
	v6 =	vtrunc.f32 v6  }
0x41: {  	v4 =	vcvt.f32.s32 v4;
	v3 =	vnsel vm1, $0x7F, v3;
	v6 =	vcvt.f32.s32 v6  }
.Ltmp0:
0x42: {  	vm1 =	vlt.s32 v5, $0x7F;
	(pc) =	sbr.rel @p0 .LBB2_2-.Ltmp0, $4  }
0x43: {  	v5 =	vnsel vm1, $0x7F, v5;
	vm1 =	vlt.s32 v4, $0x7F;
	vm2 =	vlt.s32 v6, $0x7F  }
0x44: {  	v3 =	vadd.s32 v3, v5;
	v4 =	vnsel vm1, $0x7F, v4;
	v5 =	vnsel vm2, $0x7F, v6  }
0x45: {  	v6 =	vshrl.u32 v3, $0x1;
	v3 =	vadd.s32 v4, v5  }
0x46: {  	v3 =	vshrl.u32 v3, $0x1;
	v4 =	vadd.s32 v0, v6  }
0x47: {  	[tilespmem:s0+$0x0] =	vst v4;
	v3 =	vadd.s32 v0, v3  }
0x48: {  	[tilespmem:s7+$0x0] =	vst v3  }
0x49: {  	v3 =	vld.msk [tilespmem:$0x800], $0xff;
	_ =	sdelay $0x4  }
0x4a: {  	v62 =	vshll.u32 v3, $0x4  }
0x4b: {  	v3 =	vand.u32 $0x7, v3;
	v4 =	vand.u32 $0xFFFFFF80, v62  }
0x4c: {  	v3 =	vor.u32 v3, v4  }
0x4d: {  	v3 =	vperm.xlane v3, v1;
	_ =	sdelay $0x1  }
0x4e: {  	v3 =	vadd.s32 v2, v3;
	_ =	sdelay $0x3  }
0x4f: {  	s8 =	simm.s32 $0x0;
	s7 =	simm.s32 $0xC00  }
0x50: {  	[tilespmem:s7], [sflag:$0x1] =	stream.indirect_vreg.gather [hbm4b:s30+s8], $0x80, v3, vm0, $0xb8;
	[tilespmem:$0x18C00] =	vst v63  }
0x51: {  	s24 =	simm.s32 $0x1400  }
0x52: {  	[tilespmem:s24], [sflag:$0x1] =	stream.indirect_vreg.gather [hbm4b:s9+s8], $0x80, v3, vm0, $0xb8;
	[tilespmem:$0x18C00] =	vst v63  }
0x53: {  	s25 =	simm.s32 $0x1C00  }
0x54: {  	[tilespmem:s25], [sflag:$0x1] =	stream.indirect_vreg.gather [hbm4b:s10+s8], $0x80, v3, vm0, $0xb8;
	[tilespmem:$0x18C00] =	vst v63  }
0x55: {  	s26 =	simm.s32 $0x2400  }
0x56: {  	[tilespmem:s26], [sflag:$0x1] =	stream.indirect_vreg.gather [hbm4b:s11+s8], $0x80, v3, vm0, $0xb8;
	[tilespmem:$0x18C00] =	vst v63  }
0x57: {  	s28 =	simm.s32 $0x2C00  }
0x58: {  	[tilespmem:s28], [sflag:$0x1] =	stream.indirect_vreg.gather [hbm4b:s12+s8], $0x80, v3, vm0, $0xb8;
	[tilespmem:$0x18C00] =	vst v63  }
0x59: {  	s29 =	simm.s32 $0x3400  }
0x5a: {  	[tilespmem:s29], [sflag:$0x1] =	stream.indirect_vreg.gather [hbm4b:s13+s8], $0x80, v3, vm0, $0xb8;
	[tilespmem:$0x18C00] =	vst v63  }
0x5b: {  	s1 =	simm.s32 $0x3C00  }
0x5c: {  	[tilespmem:s1], [sflag:$0x1] =	stream.indirect_vreg.gather [hbm4b:s14+s8], $0x80, v3, vm0, $0xb8;
	[tilespmem:$0x18C00] =	vst v63  }
0x5d: {  	s2 =	simm.s32 $0x4400  }
0x5e: {  	[tilespmem:s2], [sflag:$0x1] =	stream.indirect_vreg.gather [hbm4b:s15+s8], $0x80, v3, vm0, $0xb8;
	[tilespmem:$0x18C00] =	vst v63  }
0x5f: {  	v3 =	vld.msk [tilespmem:$0xA00], $0xff;
	_ =	sdelay $0x4  }
0x60: {  	v63 =	vshll.u32 v3, $0x4  }
0x61: {  	v3 =	vand.u32 $0x7, v3;
	v4 =	vand.u32 $0xFFFFFF80, v63  }
0x62: {  	v3 =	vor.u32 v3, v4  }
0x63: {  	v3 =	vperm.xlane v3, v1;
	_ =	sdelay $0x1  }
0x64: {  	v3 =	vadd.s32 v2, v3;
	_ =	sdelay $0x3  }
0x65: {  	s3 =	rddreg [dreg:$0x2];
	s1 =	simm.s32 $0x4C00  }
0x66: {  	[tilespmem:s1], [sflag:$0x2] =	stream.indirect_vreg.gather [hbm4b:s3+s8], $0x80, v3, vm0, $0xb8;
	[tilespmem:$0x18C00] =	vst v63  }
0x67: {  	s5 =	simm.s32 $0x5400  }
0x68: {  	[tilespmem:s5], [sflag:$0x2] =	stream.indirect_vreg.gather [hbm4b:s16+s8], $0x80, v3, vm0, $0xb8;
	[tilespmem:$0x18C00] =	vst v63  }
0x69: {  	s7 =	simm.s32 $0x5C00  }
0x6a: {  	[tilespmem:s7], [sflag:$0x2] =	stream.indirect_vreg.gather [hbm4b:s17+s8], $0x80, v3, vm0, $0xb8;
	[tilespmem:$0x18C00] =	vst v63  }
0x6b: {  	s24 =	simm.s32 $0x6400  }
0x6c: {  	[tilespmem:s24], [sflag:$0x2] =	stream.indirect_vreg.gather [hbm4b:s18+s8], $0x80, v3, vm0, $0xb8;
	[tilespmem:$0x18C00] =	vst v63  }
0x6d: {  	s25 =	simm.s32 $0x6C00  }
0x6e: {  	[tilespmem:s25], [sflag:$0x2] =	stream.indirect_vreg.gather [hbm4b:s19+s8], $0x80, v3, vm0, $0xb8;
	[tilespmem:$0x18C00] =	vst v63  }
0x6f: {  	s26 =	simm.s32 $0x7400  }
0x70: {  	[tilespmem:s26], [sflag:$0x2] =	stream.indirect_vreg.gather [hbm4b:s20+s8], $0x80, v3, vm0, $0xb8;
	[tilespmem:$0x18C00] =	vst v63  }
0x71: {  	s28 =	simm.s32 $0x7C00  }
0x72: {  	[tilespmem:s28], [sflag:$0x2] =	stream.indirect_vreg.gather [hbm4b:s21+s8], $0x80, v3, vm0, $0xb8;
	[tilespmem:$0x18C00] =	vst v63  }
0x73: {  	s29 =	simm.s32 $0x8400;
	s24 =	simm.s32 $0x0  }
0x74: {  	[tilespmem:s29], [sflag:$0x2] =	stream.indirect_vreg.gather [hbm4b:s23+s8], $0x80, v3, vm0, $0xb8;
	[tilespmem:$0x18C00] =	vst v63  }
.LBB2_4:
0x75: {  	s25 =	sshll.u32 s24, $0x4  }
0x76: {  	v3 =	vld.msk [tilespmem:s25+$0x808], $0xff;
	_ =	sdelay $0x4  }
0x77: {  	v4 =	vshll.u32 v3, $0x4  }
0x78: {  	v3 =	vand.u32 $0x7, v3;
	v4 =	vand.u32 $0xFFFFFF80, v4  }
0x79: {  	v3 =	vor.u32 v3, v4  }
0x7a: {  	v3 =	vperm.xlane v3, v1;
	_ =	sdelay $0x1  }
0x7b: {  	v3 =	vadd.s32 v2, v3;
	_ =	sdelay $0x3  }
0x7c: {  	s0 =	simm.s32 $0x8C00  }
0x7d: {  	[tilespmem:s0], [sflag:$0x3] =	stream.indirect_vreg.gather [hbm4b:s30+s4], $0x80, v3, vm0, $0xb8;
	[tilespmem:$0x18C00] =	vst v63  }
0x7e: {  	s5 =	simm.s32 $0x9400  }
0x7f: {  	[tilespmem:s5], [sflag:$0x3] =	stream.indirect_vreg.gather [hbm4b:s9+s4], $0x80, v3, vm0, $0xb8;
	[tilespmem:$0x18C00] =	vst v63  }
0x80: {  	s7 =	simm.s32 $0x9C00  }
0x81: {  	[tilespmem:s7], [sflag:$0x3] =	stream.indirect_vreg.gather [hbm4b:s10+s4], $0x80, v3, vm0, $0xb8;
	[tilespmem:$0x18C00] =	vst v63  }
0x82: {  	s26 =	simm.s32 $0xA400  }
0x83: {  	[tilespmem:s26], [sflag:$0x3] =	stream.indirect_vreg.gather [hbm4b:s11+s4], $0x80, v3, vm0, $0xb8;
	[tilespmem:$0x18C00] =	vst v63  }
0x84: {  	s28 =	simm.s32 $0xAC00  }
0x85: {  	[tilespmem:s28], [sflag:$0x3] =	stream.indirect_vreg.gather [hbm4b:s12+s4], $0x80, v3, vm0, $0xb8;
	[tilespmem:$0x18C00] =	vst v63  }
0x86: {  	s1 =	simm.s32 $0xB400  }
0x87: {  	[tilespmem:s1], [sflag:$0x3] =	stream.indirect_vreg.gather [hbm4b:s13+s4], $0x80, v3, vm0, $0xb8;
	[tilespmem:$0x18C00] =	vst v63  }
0x88: {  	s2 =	simm.s32 $0xBC00  }
0x89: {  	[tilespmem:s2], [sflag:$0x3] =	stream.indirect_vreg.gather [hbm4b:s14+s4], $0x80, v3, vm0, $0xb8;
	[tilespmem:$0x18C00] =	vst v63  }
0x8a: {  	s3 =	simm.s32 $0xC400  }
0x8b: {  	[tilespmem:s3], [sflag:$0x3] =	stream.indirect_vreg.gather [hbm4b:s15+s4], $0x80, v3, vm0, $0xb8;
	[tilespmem:$0x18C00] =	vst v63  }
0x8c: {  	v3 =	vld.msk [tilespmem:s25+$0xA08], $0xff;
	_ =	sdelay $0x4  }
0x8d: {  	v4 =	vshll.u32 v3, $0x4  }
0x8e: {  	v3 =	vand.u32 $0x7, v3;
	v4 =	vand.u32 $0xFFFFFF80, v4  }
0x8f: {  	v3 =	vor.u32 v3, v4  }
0x90: {  	v3 =	vperm.xlane v3, v1;
	_ =	sdelay $0x1  }
0x91: {  	v3 =	vadd.s32 v2, v3;
	_ =	sdelay $0x3  }
0x92: {  	s5 =	rddreg [dreg:$0x2];
	s1 =	simm.s32 $0xCC00  }
0x93: {  	[tilespmem:s1], [sflag:$0x4] =	stream.indirect_vreg.gather [hbm4b:s5+s4], $0x80, v3, vm0, $0xb8;
	[tilespmem:$0x18C00] =	vst v63  }
0x94: {  	s7 =	simm.s32 $0xD400  }
0x95: {  	[tilespmem:s7], [sflag:$0x4] =	stream.indirect_vreg.gather [hbm4b:s16+s4], $0x80, v3, vm0, $0xb8;
	[tilespmem:$0x18C00] =	vst v63  }
0x96: {  	s26 =	simm.s32 $0xDC00  }
0x97: {  	[tilespmem:s26], [sflag:$0x4] =	stream.indirect_vreg.gather [hbm4b:s17+s4], $0x80, v3, vm0, $0xb8;
	[tilespmem:$0x18C00] =	vst v63  }
0x98: {  	s28 =	simm.s32 $0xE400  }
0x99: {  	[tilespmem:s28], [sflag:$0x4] =	stream.indirect_vreg.gather [hbm4b:s18+s4], $0x80, v3, vm0, $0xb8;
	[tilespmem:$0x18C00] =	vst v63  }
0x9a: {  	s1 =	simm.s32 $0xEC00  }
0x9b: {  	[tilespmem:s1], [sflag:$0x4] =	stream.indirect_vreg.gather [hbm4b:s19+s4], $0x80, v3, vm0, $0xb8;
	[tilespmem:$0x18C00] =	vst v63  }
0x9c: {  	s2 =	simm.s32 $0xF400  }
0x9d: {  	[tilespmem:s2], [sflag:$0x4] =	stream.indirect_vreg.gather [hbm4b:s20+s4], $0x80, v3, vm0, $0xb8;
	[tilespmem:$0x18C00] =	vst v63  }
0x9e: {  	s3 =	simm.s32 $0xFC00  }
0x9f: {  	[tilespmem:s3], [sflag:$0x4] =	stream.indirect_vreg.gather [hbm4b:s21+s4], $0x80, v3, vm0, $0xb8;
	[tilespmem:$0x18C00] =	vst v63  }
0xa0: {  	s5 =	simm.s32 $0x10400;
	s7 =	simm.s32 $0x1  }
0xa1: {  	[tilespmem:s5], [sflag:$0x4] =	stream.indirect_vreg.gather [hbm4b:s23+s4], $0x80, v3, vm0, $0xb8;
	[tilespmem:$0x18C00] =	vst v63  }
0xa2: {  	_ =	swait.ge [sflag:s7], $0x4000  }
0xa3: {  	[sflag:s7] =	ssyncset.done $0x0  }
0xa4: {  	s26 =	simm.s32 $0x2;
	[sflag:s7] =	ssyncadd.s32 $0xFFFFC000  }
0xa5: {  	_ =	swait.ge [sflag:s26], $0x4000  }
0xa6: {  	s29 =	smov.u32 s30;
	p0 =	seq.s32 s24, $0x0;
	[sflag:s26] =	ssyncset.done $0x0  }
0xa7: {  	s0 =	simm.s32 @!p0 $0x5;
	s28 =	sand.u32 $0x7, s8;
	[sflag:s26] =	ssyncadd.s32 $0xFFFFC000  }
0xa8: {  	s30 =	sshll.u32 s28, $0x4;
	s2 =	sand.u32 $0x70, s8;
	_ =	swait.ge @!p0 [sflag:s0], $0x4000  }
0xa9: {  	s5 =	sor.u32 $0x8, s25;
	s7 =	sand.u32 $0x3C00, s8;
	[sflag:s0] =	ssyncset.done @!p0 $0x0  }
0xaa: {  	s26 =	simm.s32 $0x10;
	[sflag:s0] =	ssyncadd.s32 @!p0 $0xFFFFC000;
	s0 =	sor.u32 s2, s7  }
0xab: {  	s2 =	sadd.s32 $0x0, s30;
	s30 =	simm.s32 $0x0;
	s7 =	simm.s32 $0x0;
	v3 =	vld [tilespmem:s0+$0x4E00]  }
.LBB2_5:
0xac: {  	p1 =	sne.s32 s26, $0x7F0;
	v4 =	vld [tilespmem:s0+$0x4F00];
	s30 =	sadd.s32 $0x80, s30;
	s7 =	sadd.s32 $0x1, s7  }
0xad: {  	s3 =	smov.u32 s26;
	s26 =	sadd.s32 $0x10, s26;
	s1 =	sand.u32 $0x7, s7;
	v5 =	vld [tilespmem:s0+$0x4E80]  }
0xae: {  	s1 =	sshll.u32 s1, $0x4;
	v6 =	vld [tilespmem:s0+$0x4D80]  }
0xaf: {  	s1 =	sadd.s32 s1, s30;
	v7 =	vld [tilespmem:s0+$0xD80]  }
0xb0: {  	v8 =	vld [tilespmem:s0+$0xE80]  }
0xb1: {  	v9 =	vld [tilespmem:s0+$0x4D00]  }
0xb2: {  	v10 =	vld [tilespmem:s0+$0xC80]  }
0xb3: {  	v11 =	vld [tilespmem:s0+$0xD00]  }
0xb4: {  	v12 =	vld [tilespmem:s0+$0x4C80]  }
0xb5: {  	v6 =	vadd.f32 v6, v7;
	v13 =	vld [tilespmem:s0+$0x4C00];
	v5 =	vadd.f32 v5, v8  }
0xb6: {  	v7 =	vld [tilespmem:s0+$0xF00]  }
0xb7: {  	[tilespmem:s0+$0x10D80] =	vst v6;
	v6 =	vld [tilespmem:s0+$0xE00]  }
0xb8: {  	v8 =	vld [tilespmem:s0+$0xC00];
	v9 =	vadd.f32 v9, v11  }
0xb9: {  	s3 =	sand.u32 $0x70, s3;
	s28 =	sand.u32 $0x3C00, s30;
	v10 =	vadd.f32 v12, v10  }
0xba: {  	s3 =	sor.u32 s3, s28;
	[tilespmem:s0+$0x10E80] =	vst v5  }
0xbb: {  	[tilespmem:s0+$0x10C80] =	vst v10;
	v4 =	vadd.f32 v4, v7  }
0xbc: {  	[tilespmem:s0+$0x10D00] =	vst v9;
	v3 =	vadd.f32 v3, v6  }
0xbd: {  	v5 =	vadd.f32 v13, v8;
	[tilespmem:s0+$0x10F00] =	vst v4  }
0xbe: {  	[tilespmem:s0+$0x10E00] =	vst v3  }
0xbf: {  	s28 =	sor.u32 $0x380, s2;
	s2 =	smov.u32 s1;
	[tilespmem:s0+$0x10C00] =	vst v5;
	s0 =	smov.u32 s3  }
0xc0: {  	v3 =	vld [tilespmem:s28+$0xC00]  }
0xc1: {  	v4 =	vld [tilespmem:s28+$0x4C00];
	_ =	sdelay $0x3  }
.Ltmp1:
0xc2: {  	(pc) =	sbr.rel @p1 .LBB2_5-.Ltmp1, $3  }
0xc3: {  	v3 =	vadd.f32 v4, v3;
	_ =	sdelay $0x1  }
0xc4: {  	[tilespmem:s28+$0x10C00] =	vst v3  }
0xc5: {  	v3 =	vld [tilespmem:s0+$0x4E00]  }
0xc6: {  	v4 =	vld [tilespmem:s0+$0x4F00]  }
0xc7: {  	v5 =	vld [tilespmem:s0+$0x4E80]  }
0xc8: {  	v6 =	vld [tilespmem:s0+$0x4D80]  }
0xc9: {  	v7 =	vld [tilespmem:s0+$0xD80]  }
0xca: {  	v8 =	vld [tilespmem:s0+$0xE80]  }
0xcb: {  	v9 =	vld [tilespmem:s0+$0x4D00]  }
0xcc: {  	v10 =	vld [tilespmem:s0+$0xC80]  }
0xcd: {  	v11 =	vld [tilespmem:s0+$0xD00]  }
0xce: {  	v12 =	vld [tilespmem:s0+$0x4C80]  }
0xcf: {  	v13 =	vld [tilespmem:s0+$0x4C00]  }
0xd0: {  	v61 =	vld [tilespmem:s0+$0xF00]  }
0xd1: {  	v62 =	vld [tilespmem:s0+$0xE00];
	v6 =	vadd.f32 v6, v7  }
0xd2: {  	v63 =	vld [tilespmem:s0+$0xC00];
	v5 =	vadd.f32 v5, v8  }
0xd3: {  	v10 =	vadd.f32 v12, v10;
	[tilespmem:s0+$0x10D80] =	vst v6  }
0xd4: {  	v9 =	vadd.f32 v9, v11;
	[tilespmem:s0+$0x10E80] =	vst v5  }
0xd5: {  	v4 =	vadd.f32 v4, v61;
	[tilespmem:s0+$0x10C80] =	vst v10  }
0xd6: {  	v3 =	vadd.f32 v3, v62;
	[tilespmem:s0+$0x10D00] =	vst v9  }
0xd7: {  	v5 =	vadd.f32 v13, v63;
	[tilespmem:s0+$0x10F00] =	vst v4  }
0xd8: {  	[tilespmem:s0+$0x10E00] =	vst v3  }
0xd9: {  	s3 =	sor.u32 $0x380, s2;
	[tilespmem:s0+$0x10C00] =	vst v5  }
0xda: {  	v3 =	vld [tilespmem:s3+$0xC00]  }
0xdb: {  	v4 =	vld [tilespmem:s3+$0x4C00];
	_ =	sdelay $0x4  }
0xdc: {  	v3 =	vadd.f32 v4, v3  }
0xdd: {  	s1 =	sshll.u32 s24, $0xC  }
0xde: {  	s26 =	simm.s32 $0x10C00;
	p1 =	seq.s32 s24, $0x1F;
	s7 =	sadd.s32 s1, s22;
	[tilespmem:s3+$0x10C00] =	vst v3  }
0xdf: {  	[hbm4b:s7+s4] =	stream.linear.scatter [tilespmem:s26], [sflag:$0x5], $0x4000, $0x38;
	[tilespmem:$0x18C00] =	vst v63  }
0xe0: {  	v3 =	vld.msk @!p1 [tilespmem:s25+$0x810], $0xff;
	_ =	sdelay $0x4  }
0xe1: {  	v4 =	vshll.u32 @!p1 v3, $0x4  }
0xe2: {  	v5 =	vlaneseq.u32 @!p1;
	v3 =	vand.u32 @!p1 $0x7, v3;
	v4 =	vand.u32 @!p1 $0xFFFFFF80, v4  }
0xe3: {  	v3 =	vor.u32 @!p1 v3, v4;
	v4 =	vand.u32 @!p1 $0x7, v5;
	v5 =	vshrl.u32 @!p1 v5, $0x3  }
0xe4: {  	v3 =	vperm.xlane @!p1 v3, v4;
	v5 =	vmul.u32 @!p1 $0x8, v5;
	_ =	sdelay $0x1  }
0xe5: {  	v3 =	vadd.s32 @!p1 v5, v3;
	_ =	sdelay $0x3  }
0xe6: {  	vm1 =	vmmov @!p1 $0xffff;
	s1 =	simm.s32 @!p1 $0xC00;
	s0 =	simm.s32 @!p1 $0x0  }
0xe7: {  	[tilespmem:s1], [sflag:$0x1] =	stream.indirect_vreg.gather @!p1 [hbm4b:s29+s0], $0x80, v3, vm1, $0xb8;
	[tilespmem:$0x18C00] =	vst v63  }
0xe8: {  	s1 =	simm.s32 @!p1 $0x1400  }
0xe9: {  	[tilespmem:s1], [sflag:$0x1] =	stream.indirect_vreg.gather @!p1 [hbm4b:s9+s0], $0x80, v3, vm1, $0xb8;
	[tilespmem:$0x18C00] =	vst v63  }
0xea: {  	s1 =	simm.s32 @!p1 $0x1C00  }
0xeb: {  	[tilespmem:s1], [sflag:$0x1] =	stream.indirect_vreg.gather @!p1 [hbm4b:s10+s0], $0x80, v3, vm1, $0xb8;
	[tilespmem:$0x18C00] =	vst v63  }
0xec: {  	s1 =	simm.s32 @!p1 $0x2400  }
0xed: {  	[tilespmem:s1], [sflag:$0x1] =	stream.indirect_vreg.gather @!p1 [hbm4b:s11+s0], $0x80, v3, vm1, $0xb8;
	[tilespmem:$0x18C00] =	vst v63  }
0xee: {  	s1 =	simm.s32 @!p1 $0x2C00  }
0xef: {  	[tilespmem:s1], [sflag:$0x1] =	stream.indirect_vreg.gather @!p1 [hbm4b:s12+s0], $0x80, v3, vm1, $0xb8;
	[tilespmem:$0x18C00] =	vst v63  }
0xf0: {  	s1 =	simm.s32 @!p1 $0x3400  }
0xf1: {  	[tilespmem:s1], [sflag:$0x1] =	stream.indirect_vreg.gather @!p1 [hbm4b:s13+s0], $0x80, v3, vm1, $0xb8;
	[tilespmem:$0x18C00] =	vst v63  }
0xf2: {  	s1 =	simm.s32 @!p1 $0x3C00  }
0xf3: {  	[tilespmem:s1], [sflag:$0x1] =	stream.indirect_vreg.gather @!p1 [hbm4b:s14+s0], $0x80, v3, vm1, $0xb8;
	[tilespmem:$0x18C00] =	vst v63  }
0xf4: {  	s1 =	simm.s32 @!p1 $0x4400  }
0xf5: {  	[tilespmem:s1], [sflag:$0x1] =	stream.indirect_vreg.gather @!p1 [hbm4b:s15+s0], $0x80, v3, vm1, $0xb8;
	[tilespmem:$0x18C00] =	vst v63  }
0xf6: {  	v3 =	vld.msk @!p1 [tilespmem:s25+$0xA10], $0xff;
	_ =	sdelay $0x4  }
0xf7: {  	v6 =	vshll.u32 @!p1 v3, $0x4  }
0xf8: {  	v3 =	vand.u32 @!p1 $0x7, v3;
	v6 =	vand.u32 @!p1 $0xFFFFFF80, v6  }
0xf9: {  	v3 =	vor.u32 @!p1 v3, v6  }
0xfa: {  	v3 =	vperm.xlane @!p1 v3, v4;
	_ =	sdelay $0x1  }
0xfb: {  	v3 =	vadd.s32 @!p1 v5, v3;
	_ =	sdelay $0x3  }
0xfc: {  	s2 =	rddreg [dreg:$0x2];
	s1 =	simm.s32 @!p1 $0x4C00  }
0xfd: {  	[tilespmem:s1], [sflag:$0x2] =	stream.indirect_vreg.gather @!p1 [hbm4b:s2+s0], $0x80, v3, vm1, $0xb8;
	[tilespmem:$0x18C00] =	vst v63  }
0xfe: {  	s1 =	simm.s32 @!p1 $0x5400  }
0xff: {  	[tilespmem:s1], [sflag:$0x2] =	stream.indirect_vreg.gather @!p1 [hbm4b:s16+s0], $0x80, v3, vm1, $0xb8;
	[tilespmem:$0x18C00] =	vst v63  }
0x100: {  	s1 =	simm.s32 @!p1 $0x5C00  }
0x101: {  	[tilespmem:s1], [sflag:$0x2] =	stream.indirect_vreg.gather @!p1 [hbm4b:s17+s0], $0x80, v3, vm1, $0xb8;
	[tilespmem:$0x18C00] =	vst v63  }
0x102: {  	s1 =	simm.s32 @!p1 $0x6400  }
0x103: {  	[tilespmem:s1], [sflag:$0x2] =	stream.indirect_vreg.gather @!p1 [hbm4b:s18+s0], $0x80, v3, vm1, $0xb8;
	[tilespmem:$0x18C00] =	vst v63  }
0x104: {  	s1 =	simm.s32 @!p1 $0x6C00  }
0x105: {  	[tilespmem:s1], [sflag:$0x2] =	stream.indirect_vreg.gather @!p1 [hbm4b:s19+s0], $0x80, v3, vm1, $0xb8;
	[tilespmem:$0x18C00] =	vst v63  }
0x106: {  	s1 =	simm.s32 @!p1 $0x7400  }
0x107: {  	[tilespmem:s1], [sflag:$0x2] =	stream.indirect_vreg.gather @!p1 [hbm4b:s20+s0], $0x80, v3, vm1, $0xb8;
	[tilespmem:$0x18C00] =	vst v63  }
0x108: {  	s1 =	simm.s32 @!p1 $0x7C00  }
0x109: {  	[tilespmem:s1], [sflag:$0x2] =	stream.indirect_vreg.gather @!p1 [hbm4b:s21+s0], $0x80, v3, vm1, $0xb8;
	[tilespmem:$0x18C00] =	vst v63  }
0x10a: {  	s1 =	simm.s32 @!p1 $0x8400  }
0x10b: {  	[tilespmem:s1], [sflag:$0x2] =	stream.indirect_vreg.gather @!p1 [hbm4b:s23+s0], $0x80, v3, vm1, $0xb8;
	[tilespmem:$0x18C00] =	vst v63  }
0x10c: {  	_ =	swait.ge [sflag:s31], $0x4000  }
0x10d: {  	[sflag:s31] =	ssyncset.done $0x0  }
0x10e: {  	[sflag:s31] =	ssyncadd.s32 $0xFFFFC000  }
0x10f: {  	_ =	swait.ge [sflag:s6], $0x4000  }
0x110: {  	[sflag:s6] =	ssyncset.done $0x0  }
0x111: {  	s25 =	simm.s32 $0x0;
	s0 =	simm.s32 @!p0 $0x6;
	[sflag:s6] =	ssyncadd.s32 $0xFFFFC000  }
0x112: {  	s30 =	smov.u32 s29;
	s28 =	sand.u32 $0x7, s25;
	_ =	swait.ge @!p0 [sflag:s0], $0x4000  }
0x113: {  	s29 =	sand.u32 $0x70, s25;
	s3 =	sand.u32 $0x3C00, s25;
	[sflag:s0] =	ssyncset.done @!p0 $0x0  }
0x114: {  	s1 =	sshll.u32 s28, $0x4;
	[sflag:s0] =	ssyncadd.s32 @!p0 $0xFFFFC000;
	s0 =	sor.u32 s29, s3  }
0x115: {  	s26 =	simm.s32 $0x10;
	s7 =	simm.s32 $0x0;
	s2 =	sadd.s32 $0x0, s1;
	v3 =	vld [tilespmem:s0+$0xCE00]  }
.LBB2_7:
0x116: {  	p0 =	sne.s32 s26, $0x7F0;
	v4 =	vld [tilespmem:s0+$0xCF00];
	s25 =	sadd.s32 $0x80, s25;
	s7 =	sadd.s32 $0x1, s7  }
0x117: {  	s3 =	smov.u32 s26;
	s26 =	sadd.s32 $0x10, s26;
	s1 =	sand.u32 $0x7, s7;
	v5 =	vld [tilespmem:s0+$0xCE80]  }
0x118: {  	s1 =	sshll.u32 s1, $0x4;
	v6 =	vld [tilespmem:s0+$0xCD80]  }
0x119: {  	s1 =	sadd.s32 s1, s25;
	v7 =	vld [tilespmem:s0+$0x8D80]  }
0x11a: {  	v8 =	vld [tilespmem:s0+$0x8E80]  }
0x11b: {  	v9 =	vld [tilespmem:s0+$0xCD00]  }
0x11c: {  	v10 =	vld [tilespmem:s0+$0x8C80]  }
0x11d: {  	v11 =	vld [tilespmem:s0+$0x8D00]  }
0x11e: {  	v12 =	vld [tilespmem:s0+$0xCC80]  }
0x11f: {  	v6 =	vadd.f32 v6, v7;
	v13 =	vld [tilespmem:s0+$0xCC00];
	v5 =	vadd.f32 v5, v8  }
0x120: {  	v7 =	vld [tilespmem:s0+$0x8F00]  }
0x121: {  	[tilespmem:s0+$0x14D80] =	vst v6;
	v6 =	vld [tilespmem:s0+$0x8E00]  }
0x122: {  	v8 =	vld [tilespmem:s0+$0x8C00];
	v9 =	vadd.f32 v9, v11  }
0x123: {  	s3 =	sand.u32 $0x70, s3;
	s28 =	sand.u32 $0x3C00, s25;
	v10 =	vadd.f32 v12, v10  }
0x124: {  	s3 =	sor.u32 s3, s28;
	[tilespmem:s0+$0x14E80] =	vst v5  }
0x125: {  	[tilespmem:s0+$0x14C80] =	vst v10;
	v4 =	vadd.f32 v4, v7  }
0x126: {  	[tilespmem:s0+$0x14D00] =	vst v9;
	v3 =	vadd.f32 v3, v6  }
0x127: {  	v5 =	vadd.f32 v13, v8;
	[tilespmem:s0+$0x14F00] =	vst v4  }
0x128: {  	[tilespmem:s0+$0x14E00] =	vst v3  }
0x129: {  	s28 =	sor.u32 $0x380, s2;
	s2 =	smov.u32 s1;
	[tilespmem:s0+$0x14C00] =	vst v5;
	s0 =	smov.u32 s3  }
0x12a: {  	v3 =	vld [tilespmem:s28+$0x8C00]  }
0x12b: {  	v4 =	vld [tilespmem:s28+$0xCC00];
	_ =	sdelay $0x3  }
.Ltmp2:
0x12c: {  	(pc) =	sbr.rel @p0 .LBB2_7-.Ltmp2, $3  }
0x12d: {  	v3 =	vadd.f32 v4, v3;
	_ =	sdelay $0x1  }
0x12e: {  	[tilespmem:s28+$0x14C00] =	vst v3  }
0x12f: {  	v3 =	vld [tilespmem:s0+$0xCE00]  }
0x130: {  	v4 =	vld [tilespmem:s0+$0xCF00]  }
0x131: {  	v5 =	vld [tilespmem:s0+$0xCE80]  }
0x132: {  	v6 =	vld [tilespmem:s0+$0xCD80]  }
0x133: {  	v7 =	vld [tilespmem:s0+$0x8D80]  }
0x134: {  	v8 =	vld [tilespmem:s0+$0x8E80]  }
0x135: {  	v9 =	vld [tilespmem:s0+$0xCD00]  }
0x136: {  	v10 =	vld [tilespmem:s0+$0x8C80]  }
0x137: {  	v11 =	vld [tilespmem:s0+$0x8D00]  }
0x138: {  	v12 =	vld [tilespmem:s0+$0xCC80]  }
0x139: {  	v13 =	vld [tilespmem:s0+$0xCC00]  }
0x13a: {  	v60 =	vld [tilespmem:s0+$0x8F00]  }
0x13b: {  	v61 =	vld [tilespmem:s0+$0x8E00];
	v6 =	vadd.f32 v6, v7  }
0x13c: {  	v62 =	vld [tilespmem:s0+$0x8C00];
	v5 =	vadd.f32 v5, v8  }
0x13d: {  	v10 =	vadd.f32 v12, v10;
	[tilespmem:s0+$0x14D80] =	vst v6  }
0x13e: {  	v9 =	vadd.f32 v9, v11;
	[tilespmem:s0+$0x14E80] =	vst v5  }
0x13f: {  	v4 =	vadd.f32 v4, v60;
	[tilespmem:s0+$0x14C80] =	vst v10  }
0x140: {  	v3 =	vadd.f32 v3, v61;
	[tilespmem:s0+$0x14D00] =	vst v9  }
0x141: {  	v63 =	vadd.f32 v13, v62;
	[tilespmem:s0+$0x14F00] =	vst v4  }
0x142: {  	[tilespmem:s0+$0x14E00] =	vst v3  }
0x143: {  	s26 =	sor.u32 $0x380, s2;
	[tilespmem:s0+$0x14C00] =	vst v63  }
0x144: {  	v3 =	vld [tilespmem:s26+$0x8C00]  }
0x145: {  	v4 =	vld [tilespmem:s26+$0xCC00];
	_ =	sdelay $0x1  }
0x146: {  	s24 =	sadd.s32 $0x1, s24  }
0x147: {  	p0 =	sne.s32 s24, $0x20  }
.Ltmp3:
0x148: {  	_ = 	snop;
	(pc) =	sbr.rel @p0 .LBB2_4-.Ltmp3, $4  }
0x149: {  	v3 =	vadd.f32 v4, v3  }
0x14a: {  	s1 =	sshll.u32 s5, $0x8  }
0x14b: {  	s29 =	simm.s32 $0x14C00;
	s28 =	sadd.s32 s1, s22;
	[tilespmem:s26+$0x14C00] =	vst v3  }
0x14c: {  	[hbm4b:s28+s4] =	stream.linear.scatter [tilespmem:s29], [sflag:$0x6], $0x4000, $0x38;
	[tilespmem:$0x18C00] =	vst v63  }
0x14d: {  	s0 =	simm.s32 $0x5  }
0x14e: {  	_ =	swait.ge [sflag:s0], $0x4000  }
0x14f: {  	[sflag:s0] =	ssyncset.done $0x0  }
0x150: {  	s1 =	simm.s32 $0x6;
	[sflag:s0] =	ssyncadd.s32 $0xFFFFC000  }
0x151: {  	_ =	swait.ge [sflag:s1], $0x4000  }
0x152: {  	s2 =	rddreg [dreg:$0xa]  }
0x153: {  	s29 =	rddreg [dreg:$0x9];
	s2 =	sadd.s32 $0x1, s2  }
0x154: {  	p0 =	sne.s32 s2, s29  }
.Ltmp4:
0x155: {  	_ = 	snop;
	(pc) =	sbr.rel @p0 .LBB2_1-.Ltmp4, $3  }
0x156: {  	_ =	sdelay $0x1  }
0x157: {  	[sflag:s1] =	ssyncset.done $0x0  }
0x158: {  	[sflag:s1] =	ssyncadd.s32 $0xFFFFC000  }
0x159: {  	_ =	sfence.sel $0x180000  }
0x15a: {  	[bflag:$0x0] =	sbarrier.arrive $0xFFFF  }
0x15b: {  	_ =	strace $0x90000047  }
0x15c: {  	s0 =	stileid.u32;
	[bflag:$0x2] =	sbarrier.arrive $0xFFFF  }
0x15d: {  	p0 =	sne.s32 s0, $0x0;
	s0 =	rddreg [dreg:$0x4]  }
0x15e: {  	s0 =	sadd.s32 @!p0 $0x100000, s0  }
0x15f: {  	[sflag:s0] =	ssyncadd.tile.s32 @!p0 $0x1;
	_ =	shalt  }
.Lfunc_end2:
_tile_overlayer_lowered:
.L_overlay_start_2:
0x160: {  	(tag) =	ssettag $0x2  }
0x161: {  	s0 =	rddreg [dreg:$0x0];
	s2 =	stileid.u32  }
0x162: {  	s1 =	rddreg [dreg:$0x1];
	p0 =	sne.s32 s2, $0x0  }
0x163: {  	s3 =	rddreg [dreg:$0x2];
	[bflag:$0x3] =	sbarrier.arrive $0xFFFF;
	s2 =	simm.s32 @!p0 $0x1C07  }
0x164: {  	[timem:s3], [sflag:s2] =	dma.local @!p0 [hbm:s0], s1  }
0x165: {  	s0 =	simm.s32 @!p0 $0x7  }
0x166: {  	_ =	swait.ge @!p0 [sflag:s0], s1  }
0x167: {  	s1 =	ssub.s32 @!p0 $0x0, s1;
	[sflag:s0] =	ssyncset.done @!p0 $0x0  }
0x168: {  	[sflag:s0] =	ssyncadd.s32 @!p0 s1  }
0x169: {  	[bflag:$0x3] =	sbarrier.arrive $0xFFFF  }
0x16a: {  	_ =	shalt  }

</sc_bundles>
